<compile_context>
chip_gen: v7x
topology: tpu7x:2x2x1
jax: 0.10.2.dev20260603
libtpu: 0.0.44.dev20260713+nightly
codegen_flags: <defaults>
</compile_context>

<pallas_src>
import functools

import jax
import jax.numpy as jnp
from jax import lax
from jax.experimental import pallas as pl
from jax.experimental.pallas import tpu as pltpu
from jax.experimental.pallas import tpu_sc as plsc

N = 10000
E = 160000
D = 256
DE = 16
DFF = 1024
H = 8
DH = D // H

NC = 2
NS = 16
NW = NC * NS

DHALF = D // 2
HP = 16

EPW = E // NW
GC = 40
GCHUNKS = EPW // GC


def _gather_body(x_hbm, dst_hbm, src_hbm, xi_hbm, xj_hbm,
                 idx_i, idx_j, rows_i, rows_j, sem_i, sem_j):
    wid = lax.axis_index("s") * NC + lax.axis_index("c")
    base = wid * EPW

    def body(c, carry):
        off = base + c * GC
        pltpu.sync_copy(dst_hbm.at[pl.ds(off, GC)], idx_i)
        pltpu.sync_copy(src_hbm.at[pl.ds(off, GC)], idx_j)
        cp_i = pltpu.async_copy(x_hbm.at[idx_i], rows_i, sem_i)
        cp_j = pltpu.async_copy(x_hbm.at[idx_j], rows_j, sem_j)
        cp_i.wait()
        cp_j.wait()
        pltpu.sync_copy(rows_i, xi_hbm.at[pl.ds(off, GC)])
        pltpu.sync_copy(rows_j, xj_hbm.at[pl.ds(off, GC)])
        return carry

    lax.fori_loop(0, GCHUNKS, body, 0)


@functools.cache
def _make_gather():
    return pl.kernel(
        _gather_body,
        out_type=(jax.ShapeDtypeStruct((E, D), jnp.float32),
                  jax.ShapeDtypeStruct((E, D), jnp.float32)),
        mesh=plsc.VectorSubcoreMesh(core_axis_name="c", subcore_axis_name="s",
                                    num_cores=NC, num_subcores=NS),
        scratch_types=[
            pltpu.VMEM((GC,), jnp.int32),
            pltpu.VMEM((GC,), jnp.int32),
            pltpu.VMEM((GC, D), jnp.float32),
            pltpu.VMEM((GC, D), jnp.float32),
            pltpu.SemaphoreType.DMA,
            pltpu.SemaphoreType.DMA,
        ],
    )

EPT = E // NS
SCC = 80
SCHUNKS = EPT // SCC
RC = 80
NRC = N // RC
ZREP = (NRC + NS - 1) // NS


def _scatter_w_body(wtd_hbm, dst_hbm, zf_hbm, s1_hbm,
                    idx_v, buf_w, buf_z, acc_w):
    c_id = lax.axis_index("c")
    s_id = lax.axis_index("s")
    col0 = c_id * DHALF
    pltpu.sync_copy(zf_hbm, buf_z)

    def zinit(k, carry):
        c = jnp.minimum(s_id + k * NS, NRC - 1)
        pltpu.sync_copy(buf_z, acc_w.at[pl.ds(c * RC, RC)])
        return carry

    lax.fori_loop(0, ZREP, zinit, 0)
    plsc.subcore_barrier()

    base = s_id * EPT

    def body(c, carry):
        off = base + c * SCC
        pltpu.sync_copy(dst_hbm.at[pl.ds(off, SCC)], idx_v)
        pltpu.sync_copy(wtd_hbm.at[pl.ds(off, SCC), pl.ds(col0, DHALF)], buf_w)
        pltpu.sync_copy(buf_w, acc_w.at[idx_v], add=True)
        return carry

    lax.fori_loop(0, SCHUNKS, body, 0)
    plsc.subcore_barrier()

    def wout(k, carry):
        c = jnp.minimum(s_id + k * NS, NRC - 1)
        r0 = c * RC
        pltpu.sync_copy(acc_w.at[pl.ds(r0, RC)], buf_z)
        pltpu.sync_copy(buf_z, s1_hbm.at[pl.ds(r0, RC), pl.ds(col0, DHALF)])
        return carry

    lax.fori_loop(0, ZREP, wout, 0)


def _scatter_d_body(exs_hbm, dst_hbm, zfd_hbm, den_hbm,
                    idx_v, buf_e, buf_zd, acc_d):
    c_id = lax.axis_index("c")
    s_id = lax.axis_index("s")
    pltpu.sync_copy(zfd_hbm, buf_zd)

    def zinit(k, carry):
        c = jnp.minimum(s_id + k * NS, NRC - 1)
        pltpu.sync_copy(buf_zd, acc_d.at[pl.ds(c * RC, RC)])
        return carry

    lax.fori_loop(0, ZREP, zinit, 0)
    plsc.subcore_barrier()

    base = s_id * EPT

    def body(c, carry):
        off = base + c * SCC
        pltpu.sync_copy(dst_hbm.at[pl.ds(off, SCC)], idx_v)
        pltpu.sync_copy(exs_hbm.at[pl.ds(off, SCC)], buf_e)
        pltpu.sync_copy(buf_e, acc_d.at[idx_v], add=True)
        return carry

    lax.fori_loop(0, SCHUNKS, body, 0)
    plsc.subcore_barrier()

    @pl.when(c_id == 0)
    def _():
        def wout(k, carry):
            c = jnp.minimum(s_id + k * NS, NRC - 1)
            r0 = c * RC
            pltpu.sync_copy(acc_d.at[pl.ds(r0, RC)], buf_zd)
            pltpu.sync_copy(buf_zd, den_hbm.at[pl.ds(r0, RC)])
            return carry

        lax.fori_loop(0, ZREP, wout, 0)


@functools.cache
def _make_scatter_w():
    return pl.kernel(
        _scatter_w_body,
        out_type=jax.ShapeDtypeStruct((N, D), jnp.float32),
        mesh=plsc.VectorSubcoreMesh(core_axis_name="c", subcore_axis_name="s",
                                    num_cores=NC, num_subcores=NS),
        scratch_types=[
            pltpu.VMEM((SCC,), jnp.int32),
            pltpu.VMEM((SCC, DHALF), jnp.float32),
            pltpu.VMEM((RC, DHALF), jnp.float32),
            pltpu.VMEM_SHARED((N, DHALF), jnp.float32),
        ],
    )


@functools.cache
def _make_scatter_d():
    return pl.kernel(
        _scatter_d_body,
        out_type=jax.ShapeDtypeStruct((N, HP), jnp.float32),
        mesh=plsc.VectorSubcoreMesh(core_axis_name="c", subcore_axis_name="s",
                                    num_cores=NC, num_subcores=NS),
        scratch_types=[
            pltpu.VMEM((SCC,), jnp.int32),
            pltpu.VMEM((SCC, HP), jnp.float32),
            pltpu.VMEM((RC, HP), jnp.float32),
            pltpu.VMEM_SHARED((N, HP), jnp.float32),
        ],
    )

BE = 1000
BN = 1000


def _mm(a, b):
    return lax.dot_general(a, b, (((1,), (0,)), ((), ())),
                           preferred_element_type=jnp.float32)


def _lnk(x, g, b):
    mu = jnp.mean(x, axis=-1, keepdims=True)
    xc = x - mu
    var = jnp.mean(xc * xc, axis=-1, keepdims=True)
    return xc * lax.rsqrt(var + 1e-5) * g + b


def _edge_tc(xi_ref, xj_ref, ea_ref, wm1, wm2, wm3, bm_r, gm_r, bmn_r,
             wq, wk, wv, weu, beu_r, geu_r, beun_r, gen_r, ben_r, s_r, st_r,
             uea_ref, exs_ref, wtd_ref):
    xi = xi_ref[...]
    xj = xj_ref[...]
    ea = ea_ref[...]
    mem = _mm(xi, wm1[...]) + _mm(xj, wm2[...]) + _mm(ea, wm3[...]) + bm_r[...]
    mem = jnp.maximum(_lnk(mem, gm_r[...], bmn_r[...]), 0.0)
    de = _mm(mem, weu[...]) + beu_r[...]
    de = jnp.maximum(_lnk(de, geu_r[...], beun_r[...]), 0.0)
    uea_ref[...] = _lnk(ea + de, gen_r[...], ben_r[...])
    q = _mm(xi, wq[...])
    k = _mm(mem, wk[...])
    v = _mm(mem, wv[...])
    logits = _mm(q * k, s_r[...]) * (DH ** -0.5)
    ex = jnp.exp(logits)
    exs_ref[...] = jnp.concatenate([ex, jnp.zeros_like(ex)], axis=-1)
    wtd_ref[...] = v * _mm(ex, st_r[...])


def _node_tc(x_ref, s1_ref, den_ref, wo, w1, b1_r, w2, b2_r,
             g1_r, b1n_r, g2_r, b2n_r, st16_r, out_ref):
    x = x_ref[...]
    r = 1.0 / (den_ref[...] + 1e-16)
    normed = s1_ref[...] * _mm(r, st16_r[...])
    aggr = _mm(normed, wo[...])
    h = _lnk(x + aggr, g1_r[...], b1n_r[...])
    f1 = jnp.maximum(_mm(h, w1[...]) + b1_r[...], 0.0)
    ffn = _mm(f1, w2[...]) + b2_r[...]
    out_ref[...] = _lnk(h + ffn, g2_r[...], b2n_r[...])


def _full(shape):
    return pl.BlockSpec(shape, lambda i: (0,) * len(shape))


_EDGE_KW = dict(
    grid=(E // BE,),
    in_specs=[
        pl.BlockSpec((BE, D), lambda i: (i, 0)),
        pl.BlockSpec((BE, D), lambda i: (i, 0)),
        pl.BlockSpec((BE, DE), lambda i: (i, 0)),
        _full((D, D)), _full((D, D)), _full((DE, D)),
        _full((1, D)), _full((1, D)), _full((1, D)),
        _full((D, D)), _full((D, D)), _full((D, D)),
        _full((D, DE)), _full((1, DE)), _full((1, DE)), _full((1, DE)),
        _full((1, DE)), _full((1, DE)),
        _full((D, H)), _full((H, D)),
    ],
    out_specs=[
        pl.BlockSpec((BE, DE), lambda i: (i, 0)),
        pl.BlockSpec((BE, HP), lambda i: (i, 0)),
        pl.BlockSpec((BE, D), lambda i: (i, 0)),
    ],
    out_shape=[
        jax.ShapeDtypeStruct((E, DE), jnp.float32),
        jax.ShapeDtypeStruct((E, HP), jnp.float32),
        jax.ShapeDtypeStruct((E, D), jnp.float32),
    ],
)
_edge_call = pl.pallas_call(_edge_tc, **_EDGE_KW)

_NODE_KW = dict(
    grid=(N // BN,),
    in_specs=[
        pl.BlockSpec((BN, D), lambda i: (i, 0)),
        pl.BlockSpec((BN, D), lambda i: (i, 0)),
        pl.BlockSpec((BN, HP), lambda i: (i, 0)),
        _full((D, D)),
        _full((D, DFF)), _full((1, DFF)),
        _full((DFF, D)), _full((1, D)),
        _full((1, D)), _full((1, D)), _full((1, D)), _full((1, D)),
        _full((HP, D)),
    ],
    out_specs=pl.BlockSpec((BN, D), lambda i: (i, 0)),
    out_shape=jax.ShapeDtypeStruct((N, D), jnp.float32),
)
_node_call = pl.pallas_call(_node_tc, **_NODE_KW)


def kernel(x, edge_index, edge_attr, W_mem, bm, gm, bmn, Wq, Wk, Wv, Wo,
           Weu, beu, geu, beun, gen, ben, W1, b1, W2, b2, g1, b1n, g2, b2n):
    src = edge_index[0]
    dst = edge_index[1]

    xi, xj = _make_gather()(x, dst, src)

    st = jnp.kron(jnp.eye(H, dtype=jnp.float32),
                  jnp.ones((1, DH), dtype=jnp.float32))
    s = st.T
    r2 = lambda a: a.reshape(1, -1)
    uea, exs, wtd = _edge_call(
        xi, xj, edge_attr,
        W_mem[:D], W_mem[D:2 * D], W_mem[2 * D:],
        r2(bm), r2(gm), r2(bmn),
        Wq, Wk, Wv, Weu,
        r2(beu), r2(geu), r2(beun), r2(gen), r2(ben),
        s, st,
    )

    zf = jnp.zeros((RC, DHALF), dtype=jnp.float32)
    zfd = jnp.zeros((RC, HP), dtype=jnp.float32)
    s1 = _make_scatter_w()(wtd, dst, zf)
    den = _make_scatter_d()(exs, dst, zfd)

    st16 = jnp.concatenate([st, jnp.zeros_like(st)], axis=0)
    out = _node_call(
        x, s1, den, Wo,
        W1, r2(b1), W2, r2(b2),
        r2(g1), r2(b1n), r2(g2), r2(b2n), st16,
    )
    return (out, uea)

# --- scband reference (transcript-rebuilt; emitter-appended) ---
"""Pipeline reference for scband-simpl-32581621907900 (READ-ONLY COPY).

The authoritative reference and input builder live on the scoring server;
editing this copy changes nothing except your own understanding.
"""

import jax, jax.numpy as jnp
import numpy as np

N = 10000
E = 160000
D = 256
DE = 16
DFF = 1024
H = 8
DH = D // H


def _ln(x, g, b):
    mu = jnp.mean(x, axis=-1, keepdims=True)
    var = jnp.mean((x - mu) ** 2, axis=-1, keepdims=True)
    return (x - mu) / jnp.sqrt(var + 1e-5) * g + b


def setup_inputs(seed: int = 0):
    key = jax.random.key(seed)
    ks = jax.random.split(key, 12)
    s = 0.05
    inp = {}
    inp["x"] = jax.random.normal(ks[0], (N, D), dtype=jnp.float32)
    inp["edge_index"] = jax.random.randint(ks[1], (2, E), 0, N, dtype=jnp.int32)
    inp["edge_attr"] = jax.random.normal(ks[2], (E, DE), dtype=jnp.float32)
    inp["W_mem"] = jax.random.normal(ks[3], (2 * D + DE, D), dtype=jnp.float32) * s
    inp["bm"] = jnp.zeros((D,), dtype=jnp.float32)
    inp["gm"] = jnp.ones((D,), dtype=jnp.float32)
    inp["bmn"] = jnp.zeros((D,), dtype=jnp.float32)
    inp["Wq"] = jax.random.normal(ks[4], (D, D), dtype=jnp.float32) * s
    inp["Wk"] = jax.random.normal(ks[5], (D, D), dtype=jnp.float32) * s
    inp["Wv"] = jax.random.normal(ks[6], (D, D), dtype=jnp.float32) * s
    inp["Wo"] = jax.random.normal(ks[7], (D, D), dtype=jnp.float32) * s
    inp["Weu"] = jax.random.normal(ks[8], (D, DE), dtype=jnp.float32) * s
    inp["beu"] = jnp.zeros((DE,), dtype=jnp.float32)
    inp["geu"] = jnp.ones((DE,), dtype=jnp.float32)
    inp["beun"] = jnp.zeros((DE,), dtype=jnp.float32)
    inp["gen"] = jnp.ones((DE,), dtype=jnp.float32)
    inp["ben"] = jnp.zeros((DE,), dtype=jnp.float32)
    inp["W1"] = jax.random.normal(ks[9], (D, DFF), dtype=jnp.float32) * s
    inp["b1"] = jnp.zeros((DFF,), dtype=jnp.float32)
    inp["W2"] = jax.random.normal(ks[10], (DFF, D), dtype=jnp.float32) * s
    inp["b2"] = jnp.zeros((D,), dtype=jnp.float32)
    inp["g1"] = jnp.ones((D,), dtype=jnp.float32)
    inp["b1n"] = jnp.zeros((D,), dtype=jnp.float32)
    inp["g2"] = jnp.ones((D,), dtype=jnp.float32)
    inp["b2n"] = jnp.zeros((D,), dtype=jnp.float32)
    return inp


def reference(x, edge_index, edge_attr, W_mem, bm, gm, bmn, Wq, Wk, Wv, Wo, Weu, beu, geu, beun, gen, ben, W1, b1, W2, b2, g1, b1n, g2, b2n):
    src = edge_index[0]
    dst = edge_index[1]
    x_j = x[src]
    x_i = x[dst]
    # message: memory projection over [x_i, x_j, edge_attr]
    mem = jnp.concatenate([x_i, x_j, edge_attr], axis=-1) @ W_mem + bm
    mem = jax.nn.relu(_ln(mem, gm, bmn))
    # edge update
    delta_edge = jax.nn.relu(_ln(mem @ Weu + beu, geu, beun))
    updated_edge_attr = _ln(edge_attr + delta_edge, gen, ben)
    # multi-head attention over edges, softmax grouped by destination node
    q = (x_i @ Wq).reshape(-1, H, DH)
    k = (mem @ Wk).reshape(-1, H, DH)
    v = (mem @ Wv).reshape(-1, H, DH)
    attn_logits = jnp.sum(q * k, axis=-1) / (DH ** 0.5)  # [E, H]
    m = jax.ops.segment_max(attn_logits, dst, num_segments=N)
    ex = jnp.exp(attn_logits - m[dst])
    denom = jax.ops.segment_sum(ex, dst, num_segments=N)
    attn = ex / (denom[dst] + 1e-16)
    msg = (attn[..., None] * v).reshape(-1, D) @ Wo
    # aggregate (add) by destination
    aggr = jax.ops.segment_sum(msg, dst, num_segments=N)
    h = _ln(x + aggr, g1, b1n)
    ffn = jax.nn.relu(h @ W1 + b1) @ W2 + b2
    out = _ln(h + ffn, g2, b2n)
    return (out, updated_edge_attr)

if __name__ == "__main__":
    import jax
    _d = setup_inputs()
    print(jax.jit(kernel)(*tuple(_d.values())))

</pallas_src>

<mosaic_0001>
#map = affine_map<(d0, d1) -> (0, 0)>
#map1 = affine_map<(d0, d1) -> (0)>
module attributes {stable_mosaic.version = 14 : i64} {
  func.func @_gather_body(%arg0: i32, %arg1: i32, %arg2: memref<10000x256xf32, #tpu.memory_space<hbm>>, %arg3: memref<160000xi32, #tpu.memory_space<hbm>>, %arg4: memref<160000xi32, #tpu.memory_space<hbm>>, %arg5: memref<160000x256xf32, #tpu.memory_space<hbm>>, %arg6: memref<160000x256xf32, #tpu.memory_space<hbm>>, %arg7: memref<40xi32, #tpu.memory_space<vmem>>, %arg8: memref<40xi32, #tpu.memory_space<vmem>>, %arg9: memref<40x256xf32, #tpu.memory_space<vmem>>, %arg10: memref<40x256xf32, #tpu.memory_space<vmem>>, %arg11: memref<!tpu.dma_semaphore, #tpu.memory_space<semaphore_mem>>, %arg12: memref<!tpu.dma_semaphore, #tpu.memory_space<semaphore_mem>>) attributes {dimension_semantics = [#tpu.dimension_semantics<core_parallel>, #tpu.dimension_semantics<subcore_parallel>], iteration_bounds = array<i64: 2, 16>, scalar_prefetch = 0 : i64, scratch_operands = 6 : i64, tpu.core_type = #tpu.core_type<sc_vector_subcore>, window_params = [{transform_indices = #map}, {transform_indices = #map1}, {transform_indices = #map1}, {transform_indices = #map}, {transform_indices = #map}]} {
    %mul3A = arith.constant 2 : i32
    %mul3A_0 = arith.muli %arg1, %mul3A : i32
    %add3A = arith.addi %mul3A_0, %arg0 : i32
    %mul3A_1 = arith.constant 5000 : i32
    %mul3A_2 = arith.muli %add3A, %mul3A_1 : i32
    %scan3A = arith.constant 0 : i32
    %scan3A_3 = arith.constant 0 : i32
    %scan3A_4 = arith.constant 125 : i32
    %scan3A_5 = arith.addi %scan3A_3, %scan3A_4 : i32
    %scan3A_6 = arith.constant 1 : i32
    scf.for %scan3A_8 = %scan3A_3 to %scan3A_5 step %scan3A_6  : i32 {
      %mul3A_9 = arith.constant 40 : i32
      %mul3A_10 = arith.muli %scan3A_8, %mul3A_9 : i32
      %add3A_11 = arith.addi %mul3A_2, %mul3A_10 : i32
      "tpu.region"() ({
        %run_scoped3A = tpu.sem_alloc : memref<!tpu.dma_semaphore, #tpu.memory_space<semaphore_mem>>
        %dma_start3A_22 = tpu.memref_slice %arg3[%add3A_11] : memref<160000xi32, #tpu.memory_space<hbm>> -> memref<40xi32, #tpu.memory_space<hbm>>
        %dma_start3A_23 = tpu.memref_slice %arg3[%add3A_11] : memref<160000xi32, #tpu.memory_space<hbm>> -> memref<40xi32, #tpu.memory_space<hbm>>
        tpu.enqueue_dma source(%dma_start3A_23 : memref<40xi32, #tpu.memory_space<hbm>>) target(%arg7 : memref<40xi32, #tpu.memory_space<vmem>>) target_semaphore(%run_scoped3A : memref<!tpu.dma_semaphore, #tpu.memory_space<semaphore_mem>>)
        %dma_wait3A_24 = tpu.memref_slice %arg3[%add3A_11] : memref<160000xi32, #tpu.memory_space<hbm>> -> memref<40xi32, #tpu.memory_space<hbm>>
        %dma_wait3A_25 = tpu.memref_slice %arg3[%add3A_11] : memref<160000xi32, #tpu.memory_space<hbm>> -> memref<40xi32, #tpu.memory_space<hbm>>
        tpu.wait_dma2 semaphore(%run_scoped3A : memref<!tpu.dma_semaphore, #tpu.memory_space<semaphore_mem>>) src(%dma_wait3A_25 : memref<40xi32, #tpu.memory_space<hbm>>) dst(%arg7 : memref<40xi32, #tpu.memory_space<vmem>>)
        tpu.yield
      }) : () -> ()
      "tpu.region"() ({
        %run_scoped3A = tpu.sem_alloc : memref<!tpu.dma_semaphore, #tpu.memory_space<semaphore_mem>>
        %dma_start3A_22 = tpu.memref_slice %arg4[%add3A_11] : memref<160000xi32, #tpu.memory_space<hbm>> -> memref<40xi32, #tpu.memory_space<hbm>>
        %dma_start3A_23 = tpu.memref_slice %arg4[%add3A_11] : memref<160000xi32, #tpu.memory_space<hbm>> -> memref<40xi32, #tpu.memory_space<hbm>>
        tpu.enqueue_dma source(%dma_start3A_23 : memref<40xi32, #tpu.memory_space<hbm>>) target(%arg8 : memref<40xi32, #tpu.memory_space<vmem>>) target_semaphore(%run_scoped3A : memref<!tpu.dma_semaphore, #tpu.memory_space<semaphore_mem>>)
        %dma_wait3A_24 = tpu.memref_slice %arg4[%add3A_11] : memref<160000xi32, #tpu.memory_space<hbm>> -> memref<40xi32, #tpu.memory_space<hbm>>
        %dma_wait3A_25 = tpu.memref_slice %arg4[%add3A_11] : memref<160000xi32, #tpu.memory_space<hbm>> -> memref<40xi32, #tpu.memory_space<hbm>>
        tpu.wait_dma2 semaphore(%run_scoped3A : memref<!tpu.dma_semaphore, #tpu.memory_space<semaphore_mem>>) src(%dma_wait3A_25 : memref<40xi32, #tpu.memory_space<hbm>>) dst(%arg8 : memref<40xi32, #tpu.memory_space<vmem>>)
        tpu.yield
      }) : () -> ()
      %dma_start3A = arith.constant 0 : i32
      %dma_start3A_12 = arith.constant 0 : i32
      %dma_start3A_13 = tpu.memref_slice %arg2[%dma_start3A, %dma_start3A_12] : memref<10000x256xf32, #tpu.memory_space<hbm>> -> memref<10000x256xf32, #tpu.memory_space<hbm>>
      tpu.enqueue_indirect_dma source(%dma_start3A_13 : memref<10000x256xf32, #tpu.memory_space<hbm>>) target(%arg9 : memref<40x256xf32, #tpu.memory_space<vmem>>) offsets(%arg7 : memref<40xi32, #tpu.memory_space<vmem>>) semaphore(%arg11 : memref<!tpu.dma_semaphore, #tpu.memory_space<semaphore_mem>>)
      %dma_start3A_14 = arith.constant 0 : i32
      %dma_start3A_15 = arith.constant 0 : i32
      %dma_start3A_16 = tpu.memref_slice %arg2[%dma_start3A_14, %dma_start3A_15] : memref<10000x256xf32, #tpu.memory_space<hbm>> -> memref<10000x256xf32, #tpu.memory_space<hbm>>
      tpu.enqueue_indirect_dma source(%dma_start3A_16 : memref<10000x256xf32, #tpu.memory_space<hbm>>) target(%arg10 : memref<40x256xf32, #tpu.memory_space<vmem>>) offsets(%arg8 : memref<40xi32, #tpu.memory_space<vmem>>) semaphore(%arg12 : memref<!tpu.dma_semaphore, #tpu.memory_space<semaphore_mem>>)
      %dma_wait3A = arith.constant 0 : i32
      %dma_wait3A_17 = arith.constant 0 : i32
      %dma_wait3A_18 = tpu.memref_slice %arg2[%dma_wait3A, %dma_wait3A_17] : memref<10000x256xf32, #tpu.memory_space<hbm>> -> memref<10000x256xf32, #tpu.memory_space<hbm>>
      tpu.wait_indirect_dma semaphore(%arg11 : memref<!tpu.dma_semaphore, #tpu.memory_space<semaphore_mem>>) src(%dma_wait3A_18 : memref<10000x256xf32, #tpu.memory_space<hbm>>) dst(%arg9 : memref<40x256xf32, #tpu.memory_space<vmem>>)
      %dma_wait3A_19 = arith.constant 0 : i32
      %dma_wait3A_20 = arith.constant 0 : i32
      %dma_wait3A_21 = tpu.memref_slice %arg2[%dma_wait3A_19, %dma_wait3A_20] : memref<10000x256xf32, #tpu.memory_space<hbm>> -> memref<10000x256xf32, #tpu.memory_space<hbm>>
      tpu.wait_indirect_dma semaphore(%arg12 : memref<!tpu.dma_semaphore, #tpu.memory_space<semaphore_mem>>) src(%dma_wait3A_21 : memref<10000x256xf32, #tpu.memory_space<hbm>>) dst(%arg10 : memref<40x256xf32, #tpu.memory_space<vmem>>)
      "tpu.region"() ({
        %run_scoped3A = tpu.sem_alloc : memref<!tpu.dma_semaphore, #tpu.memory_space<semaphore_mem>>
        %dma_start3A_22 = arith.constant 0 : i32
        %dma_start3A_23 = tpu.memref_slice %arg5[%add3A_11, %dma_start3A_22] : memref<160000x256xf32, #tpu.memory_space<hbm>> -> memref<40x256xf32, #tpu.memory_space<hbm>>
        %dma_start3A_24 = arith.constant 0 : i32
        %dma_start3A_25 = tpu.memref_slice %arg5[%add3A_11, %dma_start3A_24] : memref<160000x256xf32, #tpu.memory_space<hbm>> -> memref<40x256xf32, #tpu.memory_space<hbm>>
        tpu.enqueue_dma source(%arg9 : memref<40x256xf32, #tpu.memory_space<vmem>>) target(%dma_start3A_25 : memref<40x256xf32, #tpu.memory_space<hbm>>) target_semaphore(%run_scoped3A : memref<!tpu.dma_semaphore, #tpu.memory_space<semaphore_mem>>)
        %dma_wait3A_26 = arith.constant 0 : i32
        %dma_wait3A_27 = tpu.memref_slice %arg5[%add3A_11, %dma_wait3A_26] : memref<160000x256xf32, #tpu.memory_space<hbm>> -> memref<40x256xf32, #tpu.memory_space<hbm>>
        %dma_wait3A_28 = arith.constant 0 : i32
        %dma_wait3A_29 = tpu.memref_slice %arg5[%add3A_11, %dma_wait3A_28] : memref<160000x256xf32, #tpu.memory_space<hbm>> -> memref<40x256xf32, #tpu.memory_space<hbm>>
        tpu.wait_dma2 semaphore(%run_scoped3A : memref<!tpu.dma_semaphore, #tpu.memory_space<semaphore_mem>>) src(%arg9 : memref<40x256xf32, #tpu.memory_space<vmem>>) dst(%dma_wait3A_29 : memref<40x256xf32, #tpu.memory_space<hbm>>)
        tpu.yield
      }) : () -> ()
      "tpu.region"() ({
        %run_scoped3A = tpu.sem_alloc : memref<!tpu.dma_semaphore, #tpu.memory_space<semaphore_mem>>
        %dma_start3A_22 = arith.constant 0 : i32
        %dma_start3A_23 = tpu.memref_slice %arg6[%add3A_11, %dma_start3A_22] : memref<160000x256xf32, #tpu.memory_space<hbm>> -> memref<40x256xf32, #tpu.memory_space<hbm>>
        %dma_start3A_24 = arith.constant 0 : i32
        %dma_start3A_25 = tpu.memref_slice %arg6[%add3A_11, %dma_start3A_24] : memref<160000x256xf32, #tpu.memory_space<hbm>> -> memref<40x256xf32, #tpu.memory_space<hbm>>
        tpu.enqueue_dma source(%arg10 : memref<40x256xf32, #tpu.memory_space<vmem>>) target(%dma_start3A_25 : memref<40x256xf32, #tpu.memory_space<hbm>>) target_semaphore(%run_scoped3A : memref<!tpu.dma_semaphore, #tpu.memory_space<semaphore_mem>>)
        %dma_wait3A_26 = arith.constant 0 : i32
        %dma_wait3A_27 = tpu.memref_slice %arg6[%add3A_11, %dma_wait3A_26] : memref<160000x256xf32, #tpu.memory_space<hbm>> -> memref<40x256xf32, #tpu.memory_space<hbm>>
        %dma_wait3A_28 = arith.constant 0 : i32
        %dma_wait3A_29 = tpu.memref_slice %arg6[%add3A_11, %dma_wait3A_28] : memref<160000x256xf32, #tpu.memory_space<hbm>> -> memref<40x256xf32, #tpu.memory_space<hbm>>
        tpu.wait_dma2 semaphore(%run_scoped3A : memref<!tpu.dma_semaphore, #tpu.memory_space<semaphore_mem>>) src(%arg10 : memref<40x256xf32, #tpu.memory_space<vmem>>) dst(%dma_wait3A_29 : memref<40x256xf32, #tpu.memory_space<hbm>>)
        tpu.yield
      }) : () -> ()
    }
    %scan3A_7 = arith.constant 125 : i32
    return
  }
}

#map = affine_map<(d0, d1) -> (0, 0)>
#map1 = affine_map<(d0, d1) -> (0)>
module attributes {stable_mosaic.version = 14 : i64} {
  func.func @_scatter_w_body(%arg0: i32, %arg1: i32, %arg2: memref<160000x256xf32, #tpu.memory_space<hbm>>, %arg3: memref<160000xi32, #tpu.memory_space<hbm>>, %arg4: memref<80x128xf32, #tpu.memory_space<hbm>>, %arg5: memref<10000x256xf32, #tpu.memory_space<hbm>>, %arg6: memref<80xi32, #tpu.memory_space<vmem>>, %arg7: memref<80x128xf32, #tpu.memory_space<vmem>>, %arg8: memref<80x128xf32, #tpu.memory_space<vmem>>, %arg9: memref<10000x128xf32, #tpu.memory_space<vmem_shared>>) attributes {dimension_semantics = [#tpu.dimension_semantics<core_parallel>, #tpu.dimension_semantics<subcore_parallel>], iteration_bounds = array<i64: 2, 16>, scalar_prefetch = 0 : i64, scratch_operands = 4 : i64, tpu.core_type = #tpu.core_type<sc_vector_subcore>, window_params = [{transform_indices = #map}, {transform_indices = #map1}, {transform_indices = #map}, {transform_indices = #map}]} {
    %mul3A = arith.constant 128 : i32
    %mul3A_0 = arith.muli %arg0, %mul3A : i32
    "tpu.region"() ({
      %run_scoped3A = tpu.sem_alloc : memref<!tpu.dma_semaphore, #tpu.memory_space<semaphore_mem>>
      tpu.enqueue_dma source(%arg4 : memref<80x128xf32, #tpu.memory_space<hbm>>) target(%arg8 : memref<80x128xf32, #tpu.memory_space<vmem>>) target_semaphore(%run_scoped3A : memref<!tpu.dma_semaphore, #tpu.memory_space<semaphore_mem>>)
      tpu.wait_dma2 semaphore(%run_scoped3A : memref<!tpu.dma_semaphore, #tpu.memory_space<semaphore_mem>>) src(%arg4 : memref<80x128xf32, #tpu.memory_space<hbm>>) dst(%arg8 : memref<80x128xf32, #tpu.memory_space<vmem>>)
      tpu.yield
    }) : () -> ()
    %scan3A = arith.constant 0 : i32
    %scan3A_1 = arith.constant 0 : i32
    %scan3A_2 = arith.constant 8 : i32
    %scan3A_3 = arith.addi %scan3A_1, %scan3A_2 : i32
    %scan3A_4 = arith.constant 1 : i32
    scf.for %scan3A_21 = %scan3A_1 to %scan3A_3 step %scan3A_4  : i32 {
      %mul3A_22 = arith.constant 16 : i32
      %mul3A_23 = arith.muli %scan3A_21, %mul3A_22 : i32
      %add3A = arith.addi %arg1, %mul3A_23 : i32
      %min3A = arith.constant 124 : i32
      %min3A_24 = arith.minsi %add3A, %min3A : i32
      %mul3A_25 = arith.constant 80 : i32
      %mul3A_26 = arith.muli %min3A_24, %mul3A_25 : i32
      "tpu.region"() ({
        %run_scoped3A = tpu.sem_alloc : memref<!tpu.dma_semaphore, #tpu.memory_space<semaphore_mem>>
        %dma_start3A = arith.constant 0 : i32
        %dma_start3A_27 = tpu.memref_slice %arg9[%mul3A_26, %dma_start3A] : memref<10000x128xf32, #tpu.memory_space<vmem_shared>> -> memref<80x128xf32, #tpu.memory_space<vmem_shared>>
        %dma_start3A_28 = arith.constant 0 : i32
        %dma_start3A_29 = tpu.memref_slice %arg9[%mul3A_26, %dma_start3A_28] : memref<10000x128xf32, #tpu.memory_space<vmem_shared>> -> memref<80x128xf32, #tpu.memory_space<vmem_shared>>
        tpu.enqueue_dma source(%arg8 : memref<80x128xf32, #tpu.memory_space<vmem>>) target(%dma_start3A_29 : memref<80x128xf32, #tpu.memory_space<vmem_shared>>) target_semaphore(%run_scoped3A : memref<!tpu.dma_semaphore, #tpu.memory_space<semaphore_mem>>)
        %dma_wait3A = arith.constant 0 : i32
        %dma_wait3A_30 = tpu.memref_slice %arg9[%mul3A_26, %dma_wait3A] : memref<10000x128xf32, #tpu.memory_space<vmem_shared>> -> memref<80x128xf32, #tpu.memory_space<vmem_shared>>
        %dma_wait3A_31 = arith.constant 0 : i32
        %dma_wait3A_32 = tpu.memref_slice %arg9[%mul3A_26, %dma_wait3A_31] : memref<10000x128xf32, #tpu.memory_space<vmem_shared>> -> memref<80x128xf32, #tpu.memory_space<vmem_shared>>
        tpu.wait_dma2 semaphore(%run_scoped3A : memref<!tpu.dma_semaphore, #tpu.memory_space<semaphore_mem>>) src(%arg8 : memref<80x128xf32, #tpu.memory_space<vmem>>) dst(%dma_wait3A_32 : memref<80x128xf32, #tpu.memory_space<vmem_shared>>)
        tpu.yield
      }) : () -> ()
    }
    %scan3A_5 = arith.constant 8 : i32
    %barrier3A = arith.constant 0 : index
    tpu.barrier barrier_id(%barrier3A)
    %mul3A_6 = arith.constant 10000 : i32
    %mul3A_7 = arith.muli %arg1, %mul3A_6 : i32
    %scan3A_8 = arith.constant 0 : i32
    %scan3A_9 = arith.constant 0 : i32
    %scan3A_10 = arith.constant 125 : i32
    %scan3A_11 = arith.addi %scan3A_9, %scan3A_10 : i32
    %scan3A_12 = arith.constant 1 : i32
    scf.for %scan3A_21 = %scan3A_9 to %scan3A_11 step %scan3A_12  : i32 {
      %mul3A_22 = arith.constant 80 : i32
      %mul3A_23 = arith.muli %scan3A_21, %mul3A_22 : i32
      %add3A = arith.addi %mul3A_7, %mul3A_23 : i32
      "tpu.region"() ({
        %run_scoped3A = tpu.sem_alloc : memref<!tpu.dma_semaphore, #tpu.memory_space<semaphore_mem>>
        %dma_start3A = tpu.memref_slice %arg3[%add3A] : memref<160000xi32, #tpu.memory_space<hbm>> -> memref<80xi32, #tpu.memory_space<hbm>>
        %dma_start3A_24 = tpu.memref_slice %arg3[%add3A] : memref<160000xi32, #tpu.memory_space<hbm>> -> memref<80xi32, #tpu.memory_space<hbm>>
        tpu.enqueue_dma source(%dma_start3A_24 : memref<80xi32, #tpu.memory_space<hbm>>) target(%arg6 : memref<80xi32, #tpu.memory_space<vmem>>) target_semaphore(%run_scoped3A : memref<!tpu.dma_semaphore, #tpu.memory_space<semaphore_mem>>)
        %dma_wait3A = tpu.memref_slice %arg3[%add3A] : memref<160000xi32, #tpu.memory_space<hbm>> -> memref<80xi32, #tpu.memory_space<hbm>>
        %dma_wait3A_25 = tpu.memref_slice %arg3[%add3A] : memref<160000xi32, #tpu.memory_space<hbm>> -> memref<80xi32, #tpu.memory_space<hbm>>
        tpu.wait_dma2 semaphore(%run_scoped3A : memref<!tpu.dma_semaphore, #tpu.memory_space<semaphore_mem>>) src(%dma_wait3A_25 : memref<80xi32, #tpu.memory_space<hbm>>) dst(%arg6 : memref<80xi32, #tpu.memory_space<vmem>>)
        tpu.yield
      }) : () -> ()
      "tpu.region"() ({
        %run_scoped3A = tpu.sem_alloc : memref<!tpu.dma_semaphore, #tpu.memory_space<semaphore_mem>>
        %dma_start3A = tpu.memref_slice %arg2[%add3A, %mul3A_0] : memref<160000x256xf32, #tpu.memory_space<hbm>> -> memref<80x128xf32, #tpu.memory_space<hbm>>
        %dma_start3A_24 = tpu.memref_slice %arg2[%add3A, %mul3A_0] : memref<160000x256xf32, #tpu.memory_space<hbm>> -> memref<80x128xf32, #tpu.memory_space<hbm>>
        tpu.enqueue_dma source(%dma_start3A_24 : memref<80x128xf32, #tpu.memory_space<hbm>>) target(%arg7 : memref<80x128xf32, #tpu.memory_space<vmem>>) target_semaphore(%run_scoped3A : memref<!tpu.dma_semaphore, #tpu.memory_space<semaphore_mem>>)
        %dma_wait3A = tpu.memref_slice %arg2[%add3A, %mul3A_0] : memref<160000x256xf32, #tpu.memory_space<hbm>> -> memref<80x128xf32, #tpu.memory_space<hbm>>
        %dma_wait3A_25 = tpu.memref_slice %arg2[%add3A, %mul3A_0] : memref<160000x256xf32, #tpu.memory_space<hbm>> -> memref<80x128xf32, #tpu.memory_space<hbm>>
        tpu.wait_dma2 semaphore(%run_scoped3A : memref<!tpu.dma_semaphore, #tpu.memory_space<semaphore_mem>>) src(%dma_wait3A_25 : memref<80x128xf32, #tpu.memory_space<hbm>>) dst(%arg7 : memref<80x128xf32, #tpu.memory_space<vmem>>)
        tpu.yield
      }) : () -> ()
      "tpu.region"() ({
        %run_scoped3A = tpu.sem_alloc : memref<!tpu.dma_semaphore, #tpu.memory_space<semaphore_mem>>
        %dma_start3A = arith.constant 0 : i32
        %dma_start3A_24 = arith.constant 0 : i32
        %dma_start3A_25 = tpu.memref_slice %arg9[%dma_start3A, %dma_start3A_24] : memref<10000x128xf32, #tpu.memory_space<vmem_shared>> -> memref<10000x128xf32, #tpu.memory_space<vmem_shared>>
        tpu.enqueue_indirect_dma source(%arg7 : memref<80x128xf32, #tpu.memory_space<vmem>>) target(%dma_start3A_25 : memref<10000x128xf32, #tpu.memory_space<vmem_shared>>) offsets(%arg6 : memref<80xi32, #tpu.memory_space<vmem>>) semaphore(%run_scoped3A : memref<!tpu.dma_semaphore, #tpu.memory_space<semaphore_mem>>) {add = true}
        %dma_wait3A = arith.constant 0 : i32
        %dma_wait3A_26 = arith.constant 0 : i32
        %dma_wait3A_27 = tpu.memref_slice %arg9[%dma_wait3A, %dma_wait3A_26] : memref<10000x128xf32, #tpu.memory_space<vmem_shared>> -> memref<10000x128xf32, #tpu.memory_space<vmem_shared>>
        tpu.wait_indirect_dma semaphore(%run_scoped3A : memref<!tpu.dma_semaphore, #tpu.memory_space<semaphore_mem>>) src(%arg7 : memref<80x128xf32, #tpu.memory_space<vmem>>) dst(%dma_wait3A_27 : memref<10000x128xf32, #tpu.memory_space<vmem_shared>>)
        tpu.yield
      }) : () -> ()
    }
    %scan3A_13 = arith.constant 125 : i32
    %barrier3A_14 = arith.constant 0 : index
    tpu.barrier barrier_id(%barrier3A_14)
    %scan3A_15 = arith.constant 0 : i32
    %scan3A_16 = arith.constant 0 : i32
    %scan3A_17 = arith.constant 8 : i32
    %scan3A_18 = arith.addi %scan3A_16, %scan3A_17 : i32
    %scan3A_19 = arith.constant 1 : i32
    scf.for %scan3A_21 = %scan3A_16 to %scan3A_18 step %scan3A_19  : i32 {
      %mul3A_22 = arith.constant 16 : i32
      %mul3A_23 = arith.muli %scan3A_21, %mul3A_22 : i32
      %add3A = arith.addi %arg1, %mul3A_23 : i32
      %min3A = arith.constant 124 : i32
      %min3A_24 = arith.minsi %add3A, %min3A : i32
      %mul3A_25 = arith.constant 80 : i32
      %mul3A_26 = arith.muli %min3A_24, %mul3A_25 : i32
      "tpu.region"() ({
        %run_scoped3A = tpu.sem_alloc : memref<!tpu.dma_semaphore, #tpu.memory_space<semaphore_mem>>
        %dma_start3A = arith.constant 0 : i32
        %dma_start3A_27 = tpu.memref_slice %arg9[%mul3A_26, %dma_start3A] : memref<10000x128xf32, #tpu.memory_space<vmem_shared>> -> memref<80x128xf32, #tpu.memory_space<vmem_shared>>
        %dma_start3A_28 = arith.constant 0 : i32
        %dma_start3A_29 = tpu.memref_slice %arg9[%mul3A_26, %dma_start3A_28] : memref<10000x128xf32, #tpu.memory_space<vmem_shared>> -> memref<80x128xf32, #tpu.memory_space<vmem_shared>>
        tpu.enqueue_dma source(%dma_start3A_29 : memref<80x128xf32, #tpu.memory_space<vmem_shared>>) target(%arg8 : memref<80x128xf32, #tpu.memory_space<vmem>>) target_semaphore(%run_scoped3A : memref<!tpu.dma_semaphore, #tpu.memory_space<semaphore_mem>>)
        %dma_wait3A = arith.constant 0 : i32
        %dma_wait3A_30 = tpu.memref_slice %arg9[%mul3A_26, %dma_wait3A] : memref<10000x128xf32, #tpu.memory_space<vmem_shared>> -> memref<80x128xf32, #tpu.memory_space<vmem_shared>>
        %dma_wait3A_31 = arith.constant 0 : i32
        %dma_wait3A_32 = tpu.memref_slice %arg9[%mul3A_26, %dma_wait3A_31] : memref<10000x128xf32, #tpu.memory_space<vmem_shared>> -> memref<80x128xf32, #tpu.memory_space<vmem_shared>>
        tpu.wait_dma2 semaphore(%run_scoped3A : memref<!tpu.dma_semaphore, #tpu.memory_space<semaphore_mem>>) src(%dma_wait3A_32 : memref<80x128xf32, #tpu.memory_space<vmem_shared>>) dst(%arg8 : memref<80x128xf32, #tpu.memory_space<vmem>>)
        tpu.yield
      }) : () -> ()
      "tpu.region"() ({
        %run_scoped3A = tpu.sem_alloc : memref<!tpu.dma_semaphore, #tpu.memory_space<semaphore_mem>>
        %dma_start3A = tpu.memref_slice %arg5[%mul3A_26, %mul3A_0] : memref<10000x256xf32, #tpu.memory_space<hbm>> -> memref<80x128xf32, #tpu.memory_space<hbm>>
        %dma_start3A_27 = tpu.memref_slice %arg5[%mul3A_26, %mul3A_0] : memref<10000x256xf32, #tpu.memory_space<hbm>> -> memref<80x128xf32, #tpu.memory_space<hbm>>
        tpu.enqueue_dma source(%arg8 : memref<80x128xf32, #tpu.memory_space<vmem>>) target(%dma_start3A_27 : memref<80x128xf32, #tpu.memory_space<hbm>>) target_semaphore(%run_scoped3A : memref<!tpu.dma_semaphore, #tpu.memory_space<semaphore_mem>>)
        %dma_wait3A = tpu.memref_slice %arg5[%mul3A_26, %mul3A_0] : memref<10000x256xf32, #tpu.memory_space<hbm>> -> memref<80x128xf32, #tpu.memory_space<hbm>>
        %dma_wait3A_28 = tpu.memref_slice %arg5[%mul3A_26, %mul3A_0] : memref<10000x256xf32, #tpu.memory_space<hbm>> -> memref<80x128xf32, #tpu.memory_space<hbm>>
        tpu.wait_dma2 semaphore(%run_scoped3A : memref<!tpu.dma_semaphore, #tpu.memory_space<semaphore_mem>>) src(%arg8 : memref<80x128xf32, #tpu.memory_space<vmem>>) dst(%dma_wait3A_28 : memref<80x128xf32, #tpu.memory_space<hbm>>)
        tpu.yield
      }) : () -> ()
    }
    %scan3A_20 = arith.constant 8 : i32
    return
  }
}

#map = affine_map<(d0, d1) -> (0, 0)>
#map1 = affine_map<(d0, d1) -> (0)>
module attributes {stable_mosaic.version = 14 : i64} {
  func.func @_scatter_d_body(%arg0: i32, %arg1: i32, %arg2: memref<160000x16xf32, #tpu.memory_space<hbm>>, %arg3: memref<160000xi32, #tpu.memory_space<hbm>>, %arg4: memref<80x16xf32, #tpu.memory_space<hbm>>, %arg5: memref<10000x16xf32, #tpu.memory_space<hbm>>, %arg6: memref<80xi32, #tpu.memory_space<vmem>>, %arg7: memref<80x16xf32, #tpu.memory_space<vmem>>, %arg8: memref<80x16xf32, #tpu.memory_space<vmem>>, %arg9: memref<10000x16xf32, #tpu.memory_space<vmem_shared>>) attributes {dimension_semantics = [#tpu.dimension_semantics<core_parallel>, #tpu.dimension_semantics<subcore_parallel>], iteration_bounds = array<i64: 2, 16>, scalar_prefetch = 0 : i64, scratch_operands = 4 : i64, tpu.core_type = #tpu.core_type<sc_vector_subcore>, window_params = [{transform_indices = #map}, {transform_indices = #map1}, {transform_indices = #map}, {transform_indices = #map}]} {
    "tpu.region"() ({
      %run_scoped3A = tpu.sem_alloc : memref<!tpu.dma_semaphore, #tpu.memory_space<semaphore_mem>>
      tpu.enqueue_dma source(%arg4 : memref<80x16xf32, #tpu.memory_space<hbm>>) target(%arg8 : memref<80x16xf32, #tpu.memory_space<vmem>>) target_semaphore(%run_scoped3A : memref<!tpu.dma_semaphore, #tpu.memory_space<semaphore_mem>>)
      tpu.wait_dma2 semaphore(%run_scoped3A : memref<!tpu.dma_semaphore, #tpu.memory_space<semaphore_mem>>) src(%arg4 : memref<80x16xf32, #tpu.memory_space<hbm>>) dst(%arg8 : memref<80x16xf32, #tpu.memory_space<vmem>>)
      tpu.yield
    }) : () -> ()
    %scan3A = arith.constant 0 : i32
    %scan3A_0 = arith.constant 0 : i32
    %scan3A_1 = arith.constant 8 : i32
    %scan3A_2 = arith.addi %scan3A_0, %scan3A_1 : i32
    %scan3A_3 = arith.constant 1 : i32
    scf.for %scan3A_15 = %scan3A_0 to %scan3A_2 step %scan3A_3  : i32 {
      %mul3A_16 = arith.constant 16 : i32
      %mul3A_17 = arith.muli %scan3A_15, %mul3A_16 : i32
      %add3A = arith.addi %arg1, %mul3A_17 : i32
      %min3A = arith.constant 124 : i32
      %min3A_18 = arith.minsi %add3A, %min3A : i32
      %mul3A_19 = arith.constant 80 : i32
      %mul3A_20 = arith.muli %min3A_18, %mul3A_19 : i32
      "tpu.region"() ({
        %run_scoped3A = tpu.sem_alloc : memref<!tpu.dma_semaphore, #tpu.memory_space<semaphore_mem>>
        %dma_start3A = arith.constant 0 : i32
        %dma_start3A_21 = tpu.memref_slice %arg9[%mul3A_20, %dma_start3A] : memref<10000x16xf32, #tpu.memory_space<vmem_shared>> -> memref<80x16xf32, #tpu.memory_space<vmem_shared>>
        %dma_start3A_22 = arith.constant 0 : i32
        %dma_start3A_23 = tpu.memref_slice %arg9[%mul3A_20, %dma_start3A_22] : memref<10000x16xf32, #tpu.memory_space<vmem_shared>> -> memref<80x16xf32, #tpu.memory_space<vmem_shared>>
        tpu.enqueue_dma source(%arg8 : memref<80x16xf32, #tpu.memory_space<vmem>>) target(%dma_start3A_23 : memref<80x16xf32, #tpu.memory_space<vmem_shared>>) target_semaphore(%run_scoped3A : memref<!tpu.dma_semaphore, #tpu.memory_space<semaphore_mem>>)
        %dma_wait3A = arith.constant 0 : i32
        %dma_wait3A_24 = tpu.memref_slice %arg9[%mul3A_20, %dma_wait3A] : memref<10000x16xf32, #tpu.memory_space<vmem_shared>> -> memref<80x16xf32, #tpu.memory_space<vmem_shared>>
        %dma_wait3A_25 = arith.constant 0 : i32
        %dma_wait3A_26 = tpu.memref_slice %arg9[%mul3A_20, %dma_wait3A_25] : memref<10000x16xf32, #tpu.memory_space<vmem_shared>> -> memref<80x16xf32, #tpu.memory_space<vmem_shared>>
        tpu.wait_dma2 semaphore(%run_scoped3A : memref<!tpu.dma_semaphore, #tpu.memory_space<semaphore_mem>>) src(%arg8 : memref<80x16xf32, #tpu.memory_space<vmem>>) dst(%dma_wait3A_26 : memref<80x16xf32, #tpu.memory_space<vmem_shared>>)
        tpu.yield
      }) : () -> ()
    }
    %scan3A_4 = arith.constant 8 : i32
    %barrier3A = arith.constant 0 : index
    tpu.barrier barrier_id(%barrier3A)
    %mul3A = arith.constant 10000 : i32
    %mul3A_5 = arith.muli %arg1, %mul3A : i32
    %scan3A_6 = arith.constant 0 : i32
    %scan3A_7 = arith.constant 0 : i32
    %scan3A_8 = arith.constant 125 : i32
    %scan3A_9 = arith.addi %scan3A_7, %scan3A_8 : i32
    %scan3A_10 = arith.constant 1 : i32
    scf.for %scan3A_15 = %scan3A_7 to %scan3A_9 step %scan3A_10  : i32 {
      %mul3A_16 = arith.constant 80 : i32
      %mul3A_17 = arith.muli %scan3A_15, %mul3A_16 : i32
      %add3A = arith.addi %mul3A_5, %mul3A_17 : i32
      "tpu.region"() ({
        %run_scoped3A = tpu.sem_alloc : memref<!tpu.dma_semaphore, #tpu.memory_space<semaphore_mem>>
        %dma_start3A = tpu.memref_slice %arg3[%add3A] : memref<160000xi32, #tpu.memory_space<hbm>> -> memref<80xi32, #tpu.memory_space<hbm>>
        %dma_start3A_18 = tpu.memref_slice %arg3[%add3A] : memref<160000xi32, #tpu.memory_space<hbm>> -> memref<80xi32, #tpu.memory_space<hbm>>
        tpu.enqueue_dma source(%dma_start3A_18 : memref<80xi32, #tpu.memory_space<hbm>>) target(%arg6 : memref<80xi32, #tpu.memory_space<vmem>>) target_semaphore(%run_scoped3A : memref<!tpu.dma_semaphore, #tpu.memory_space<semaphore_mem>>)
        %dma_wait3A = tpu.memref_slice %arg3[%add3A] : memref<160000xi32, #tpu.memory_space<hbm>> -> memref<80xi32, #tpu.memory_space<hbm>>
        %dma_wait3A_19 = tpu.memref_slice %arg3[%add3A] : memref<160000xi32, #tpu.memory_space<hbm>> -> memref<80xi32, #tpu.memory_space<hbm>>
        tpu.wait_dma2 semaphore(%run_scoped3A : memref<!tpu.dma_semaphore, #tpu.memory_space<semaphore_mem>>) src(%dma_wait3A_19 : memref<80xi32, #tpu.memory_space<hbm>>) dst(%arg6 : memref<80xi32, #tpu.memory_space<vmem>>)
        tpu.yield
      }) : () -> ()
      "tpu.region"() ({
        %run_scoped3A = tpu.sem_alloc : memref<!tpu.dma_semaphore, #tpu.memory_space<semaphore_mem>>
        %dma_start3A = arith.constant 0 : i32
        %dma_start3A_18 = tpu.memref_slice %arg2[%add3A, %dma_start3A] : memref<160000x16xf32, #tpu.memory_space<hbm>> -> memref<80x16xf32, #tpu.memory_space<hbm>>
        %dma_start3A_19 = arith.constant 0 : i32
        %dma_start3A_20 = tpu.memref_slice %arg2[%add3A, %dma_start3A_19] : memref<160000x16xf32, #tpu.memory_space<hbm>> -> memref<80x16xf32, #tpu.memory_space<hbm>>
        tpu.enqueue_dma source(%dma_start3A_20 : memref<80x16xf32, #tpu.memory_space<hbm>>) target(%arg7 : memref<80x16xf32, #tpu.memory_space<vmem>>) target_semaphore(%run_scoped3A : memref<!tpu.dma_semaphore, #tpu.memory_space<semaphore_mem>>)
        %dma_wait3A = arith.constant 0 : i32
        %dma_wait3A_21 = tpu.memref_slice %arg2[%add3A, %dma_wait3A] : memref<160000x16xf32, #tpu.memory_space<hbm>> -> memref<80x16xf32, #tpu.memory_space<hbm>>
        %dma_wait3A_22 = arith.constant 0 : i32
        %dma_wait3A_23 = tpu.memref_slice %arg2[%add3A, %dma_wait3A_22] : memref<160000x16xf32, #tpu.memory_space<hbm>> -> memref<80x16xf32, #tpu.memory_space<hbm>>
        tpu.wait_dma2 semaphore(%run_scoped3A : memref<!tpu.dma_semaphore, #tpu.memory_space<semaphore_mem>>) src(%dma_wait3A_23 : memref<80x16xf32, #tpu.memory_space<hbm>>) dst(%arg7 : memref<80x16xf32, #tpu.memory_space<vmem>>)
        tpu.yield
      }) : () -> ()
      "tpu.region"() ({
        %run_scoped3A = tpu.sem_alloc : memref<!tpu.dma_semaphore, #tpu.memory_space<semaphore_mem>>
        %dma_start3A = arith.constant 0 : i32
        %dma_start3A_18 = arith.constant 0 : i32
        %dma_start3A_19 = tpu.memref_slice %arg9[%dma_start3A, %dma_start3A_18] : memref<10000x16xf32, #tpu.memory_space<vmem_shared>> -> memref<10000x16xf32, #tpu.memory_space<vmem_shared>>
        tpu.enqueue_indirect_dma source(%arg7 : memref<80x16xf32, #tpu.memory_space<vmem>>) target(%dma_start3A_19 : memref<10000x16xf32, #tpu.memory_space<vmem_shared>>) offsets(%arg6 : memref<80xi32, #tpu.memory_space<vmem>>) semaphore(%run_scoped3A : memref<!tpu.dma_semaphore, #tpu.memory_space<semaphore_mem>>) {add = true}
        %dma_wait3A = arith.constant 0 : i32
        %dma_wait3A_20 = arith.constant 0 : i32
        %dma_wait3A_21 = tpu.memref_slice %arg9[%dma_wait3A, %dma_wait3A_20] : memref<10000x16xf32, #tpu.memory_space<vmem_shared>> -> memref<10000x16xf32, #tpu.memory_space<vmem_shared>>
        tpu.wait_indirect_dma semaphore(%run_scoped3A : memref<!tpu.dma_semaphore, #tpu.memory_space<semaphore_mem>>) src(%arg7 : memref<80x16xf32, #tpu.memory_space<vmem>>) dst(%dma_wait3A_21 : memref<10000x16xf32, #tpu.memory_space<vmem_shared>>)
        tpu.yield
      }) : () -> ()
    }
    %scan3A_11 = arith.constant 125 : i32
    %barrier3A_12 = arith.constant 0 : index
    tpu.barrier barrier_id(%barrier3A_12)
    %eq3A = arith.constant 0 : i32
    %eq3A_13 = arith.cmpi eq, %arg0, %eq3A : i32
    %convert_element_type3A = arith.extui %eq3A_13 : i1 to i32
    %cond3A = arith.constant 0 : i32
    %cond3A_14 = arith.cmpi ne, %convert_element_type3A, %cond3A : i32
    scf.if %cond3A_14 {
      %scan3A_15 = arith.constant 0 : i32
      %scan3A_16 = arith.constant 0 : i32
      %scan3A_17 = arith.constant 8 : i32
      %scan3A_18 = arith.addi %scan3A_16, %scan3A_17 : i32
      %scan3A_19 = arith.constant 1 : i32
      scf.for %scan3A_21 = %scan3A_16 to %scan3A_18 step %scan3A_19  : i32 {
        %mul3A_22 = arith.constant 16 : i32
        %mul3A_23 = arith.muli %scan3A_21, %mul3A_22 : i32
        %add3A = arith.addi %arg1, %mul3A_23 : i32
        %min3A = arith.constant 124 : i32
        %min3A_24 = arith.minsi %add3A, %min3A : i32
        %mul3A_25 = arith.constant 80 : i32
        %mul3A_26 = arith.muli %min3A_24, %mul3A_25 : i32
        "tpu.region"() ({
          %run_scoped3A = tpu.sem_alloc : memref<!tpu.dma_semaphore, #tpu.memory_space<semaphore_mem>>
          %dma_start3A = arith.constant 0 : i32
          %dma_start3A_27 = tpu.memref_slice %arg9[%mul3A_26, %dma_start3A] : memref<10000x16xf32, #tpu.memory_space<vmem_shared>> -> memref<80x16xf32, #tpu.memory_space<vmem_shared>>
          %dma_start3A_28 = arith.constant 0 : i32
          %dma_start3A_29 = tpu.memref_slice %arg9[%mul3A_26, %dma_start3A_28] : memref<10000x16xf32, #tpu.memory_space<vmem_shared>> -> memref<80x16xf32, #tpu.memory_space<vmem_shared>>
          tpu.enqueue_dma source(%dma_start3A_29 : memref<80x16xf32, #tpu.memory_space<vmem_shared>>) target(%arg8 : memref<80x16xf32, #tpu.memory_space<vmem>>) target_semaphore(%run_scoped3A : memref<!tpu.dma_semaphore, #tpu.memory_space<semaphore_mem>>)
          %dma_wait3A = arith.constant 0 : i32
          %dma_wait3A_30 = tpu.memref_slice %arg9[%mul3A_26, %dma_wait3A] : memref<10000x16xf32, #tpu.memory_space<vmem_shared>> -> memref<80x16xf32, #tpu.memory_space<vmem_shared>>
          %dma_wait3A_31 = arith.constant 0 : i32
          %dma_wait3A_32 = tpu.memref_slice %arg9[%mul3A_26, %dma_wait3A_31] : memref<10000x16xf32, #tpu.memory_space<vmem_shared>> -> memref<80x16xf32, #tpu.memory_space<vmem_shared>>
          tpu.wait_dma2 semaphore(%run_scoped3A : memref<!tpu.dma_semaphore, #tpu.memory_space<semaphore_mem>>) src(%dma_wait3A_32 : memref<80x16xf32, #tpu.memory_space<vmem_shared>>) dst(%arg8 : memref<80x16xf32, #tpu.memory_space<vmem>>)
          tpu.yield
        }) : () -> ()
        "tpu.region"() ({
          %run_scoped3A = tpu.sem_alloc : memref<!tpu.dma_semaphore, #tpu.memory_space<semaphore_mem>>
          %dma_start3A = arith.constant 0 : i32
          %dma_start3A_27 = tpu.memref_slice %arg5[%mul3A_26, %dma_start3A] : memref<10000x16xf32, #tpu.memory_space<hbm>> -> memref<80x16xf32, #tpu.memory_space<hbm>>
          %dma_start3A_28 = arith.constant 0 : i32
          %dma_start3A_29 = tpu.memref_slice %arg5[%mul3A_26, %dma_start3A_28] : memref<10000x16xf32, #tpu.memory_space<hbm>> -> memref<80x16xf32, #tpu.memory_space<hbm>>
          tpu.enqueue_dma source(%arg8 : memref<80x16xf32, #tpu.memory_space<vmem>>) target(%dma_start3A_29 : memref<80x16xf32, #tpu.memory_space<hbm>>) target_semaphore(%run_scoped3A : memref<!tpu.dma_semaphore, #tpu.memory_space<semaphore_mem>>)
          %dma_wait3A = arith.constant 0 : i32
          %dma_wait3A_30 = tpu.memref_slice %arg5[%mul3A_26, %dma_wait3A] : memref<10000x16xf32, #tpu.memory_space<hbm>> -> memref<80x16xf32, #tpu.memory_space<hbm>>
          %dma_wait3A_31 = arith.constant 0 : i32
          %dma_wait3A_32 = tpu.memref_slice %arg5[%mul3A_26, %dma_wait3A_31] : memref<10000x16xf32, #tpu.memory_space<hbm>> -> memref<80x16xf32, #tpu.memory_space<hbm>>
          tpu.wait_dma2 semaphore(%run_scoped3A : memref<!tpu.dma_semaphore, #tpu.memory_space<semaphore_mem>>) src(%arg8 : memref<80x16xf32, #tpu.memory_space<vmem>>) dst(%dma_wait3A_32 : memref<80x16xf32, #tpu.memory_space<hbm>>)
          tpu.yield
        }) : () -> ()
      }
      %scan3A_20 = arith.constant 8 : i32
    } else {
    }
    return
  }
}

module attributes {stable_mosaic.version = 14 : i64} {
  func.func @_edge_tc(%arg0: i32, %arg1: memref<1000x256xf32, #tpu.memory_space<vmem>>, %arg2: memref<1000x256xf32, #tpu.memory_space<vmem>>, %arg3: memref<1000x16xf32, #tpu.memory_space<vmem>>, %arg4: memref<256x256xf32, #tpu.memory_space<vmem>>, %arg5: memref<256x256xf32, #tpu.memory_space<vmem>>, %arg6: memref<16x256xf32, #tpu.memory_space<vmem>>, %arg7: memref<1x256xf32, #tpu.memory_space<vmem>>, %arg8: memref<1x256xf32, #tpu.memory_space<vmem>>, %arg9: memref<1x256xf32, #tpu.memory_space<vmem>>, %arg10: memref<256x256xf32, #tpu.memory_space<vmem>>, %arg11: memref<256x256xf32, #tpu.memory_space<vmem>>, %arg12: memref<256x256xf32, #tpu.memory_space<vmem>>, %arg13: memref<256x16xf32, #tpu.memory_space<vmem>>, %arg14: memref<1x16xf32, #tpu.memory_space<vmem>>, %arg15: memref<1x16xf32, #tpu.memory_space<vmem>>, %arg16: memref<1x16xf32, #tpu.memory_space<vmem>>, %arg17: memref<1x16xf32, #tpu.memory_space<vmem>>, %arg18: memref<1x16xf32, #tpu.memory_space<vmem>>, %arg19: memref<256x8xf32, #tpu.memory_space<vmem>>, %arg20: memref<8x256xf32, #tpu.memory_space<vmem>>, %arg21: memref<1000x16xf32, #tpu.memory_space<vmem>>, %arg22: memref<1000x16xf32, #tpu.memory_space<vmem>>, %arg23: memref<1000x256xf32, #tpu.memory_space<vmem>>) attributes {dimension_semantics = [#tpu.dimension_semantics<arbitrary>], iteration_bounds = array<i64: 160>, scalar_prefetch = 0 : i64, scratch_operands = 0 : i64, tpu.core_type = #tpu.core_type<tc>, window_params = [{transform_indices = @transform_0, window_bounds = array<i64: 1000, 256>}, {transform_indices = @transform_1, window_bounds = array<i64: 1000, 256>}, {transform_indices = @transform_2, window_bounds = array<i64: 1000, 16>}, {pipeline_mode = #tpu.pipeline_mode<synchronous>, transform_indices = @transform_3, window_bounds = array<i64: 256, 256>}, {pipeline_mode = #tpu.pipeline_mode<synchronous>, transform_indices = @transform_4, window_bounds = array<i64: 256, 256>}, {pipeline_mode = #tpu.pipeline_mode<synchronous>, transform_indices = @transform_5, window_bounds = array<i64: 16, 256>}, {pipeline_mode = #tpu.pipeline_mode<synchronous>, transform_indices = @transform_6, window_bounds = array<i64: 1, 256>}, {pipeline_mode = #tpu.pipeline_mode<synchronous>, transform_indices = @transform_7, window_bounds = array<i64: 1, 256>}, {pipeline_mode = #tpu.pipeline_mode<synchronous>, transform_indices = @transform_8, window_bounds = array<i64: 1, 256>}, {pipeline_mode = #tpu.pipeline_mode<synchronous>, transform_indices = @transform_9, window_bounds = array<i64: 256, 256>}, {pipeline_mode = #tpu.pipeline_mode<synchronous>, transform_indices = @transform_10, window_bounds = array<i64: 256, 256>}, {pipeline_mode = #tpu.pipeline_mode<synchronous>, transform_indices = @transform_11, window_bounds = array<i64: 256, 256>}, {pipeline_mode = #tpu.pipeline_mode<synchronous>, transform_indices = @transform_12, window_bounds = array<i64: 256, 16>}, {pipeline_mode = #tpu.pipeline_mode<synchronous>, transform_indices = @transform_13, window_bounds = array<i64: 1, 16>}, {pipeline_mode = #tpu.pipeline_mode<synchronous>, transform_indices = @transform_14, window_bounds = array<i64: 1, 16>}, {pipeline_mode = #tpu.pipeline_mode<synchronous>, transform_indices = @transform_15, window_bounds = array<i64: 1, 16>}, {pipeline_mode = #tpu.pipeline_mode<synchronous>, transform_indices = @transform_16, window_bounds = array<i64: 1, 16>}, {pipeline_mode = #tpu.pipeline_mode<synchronous>, transform_indices = @transform_17, window_bounds = array<i64: 1, 16>}, {pipeline_mode = #tpu.pipeline_mode<synchronous>, transform_indices = @transform_18, window_bounds = array<i64: 256, 8>}, {pipeline_mode = #tpu.pipeline_mode<synchronous>, transform_indices = @transform_19, window_bounds = array<i64: 8, 256>}, {transform_indices = @transform_20, window_bounds = array<i64: 1000, 16>}, {transform_indices = @transform_21, window_bounds = array<i64: 1000, 16>}, {transform_indices = @transform_22, window_bounds = array<i64: 1000, 256>}]} {
    %get3A = arith.constant 0 : index
    %get3A_0 = arith.constant 0 : index
    %get3A_1 = vector.load %arg1[%get3A, %get3A_0] : memref<1000x256xf32, #tpu.memory_space<vmem>>, vector<1000x256xf32>
    %get3A_2 = arith.constant 0 : index
    %get3A_3 = arith.constant 0 : index
    %get3A_4 = vector.load %arg2[%get3A_2, %get3A_3] : memref<1000x256xf32, #tpu.memory_space<vmem>>, vector<1000x256xf32>
    %get3A_5 = arith.constant 0 : index
    %get3A_6 = arith.constant 0 : index
    %get3A_7 = vector.load %arg3[%get3A_5, %get3A_6] : memref<1000x16xf32, #tpu.memory_space<vmem>>, vector<1000x16xf32>
    %get3A_8 = arith.constant 0 : index
    %get3A_9 = arith.constant 0 : index
    %get3A_10 = vector.load %arg4[%get3A_8, %get3A_9] : memref<256x256xf32, #tpu.memory_space<vmem>>, vector<256x256xf32>
    %dot_general3A = arith.constant dense<0.000000e+00> : vector<1000x256xf32>
    %dot_general3A_11 = tpu.matmul %get3A_1, %get3A_10, %dot_general3A {dimension_numbers = #tpu.dot_dimension_numbers<[1], [0], [0], [1], [0, 0, 1, 1], [], []>, transpose_lhs_hint = false} : vector<1000x256xf32>, vector<256x256xf32>, vector<1000x256xf32> -> vector<1000x256xf32>
    %get3A_12 = arith.constant 0 : index
    %get3A_13 = arith.constant 0 : index
    %get3A_14 = vector.load %arg5[%get3A_12, %get3A_13] : memref<256x256xf32, #tpu.memory_space<vmem>>, vector<256x256xf32>
    %dot_general3A_15 = arith.constant dense<0.000000e+00> : vector<1000x256xf32>
    %dot_general3A_16 = tpu.matmul %get3A_4, %get3A_14, %dot_general3A_15 {dimension_numbers = #tpu.dot_dimension_numbers<[1], [0], [0], [1], [0, 0, 1, 1], [], []>, transpose_lhs_hint = false} : vector<1000x256xf32>, vector<256x256xf32>, vector<1000x256xf32> -> vector<1000x256xf32>
    %add3A = arith.addf %dot_general3A_11, %dot_general3A_16 : vector<1000x256xf32>
    %get3A_17 = arith.constant 0 : index
    %get3A_18 = arith.constant 0 : index
    %get3A_19 = vector.load %arg6[%get3A_17, %get3A_18] : memref<16x256xf32, #tpu.memory_space<vmem>>, vector<16x256xf32>
    %dot_general3A_20 = arith.constant dense<0.000000e+00> : vector<1000x256xf32>
    %dot_general3A_21 = tpu.matmul %get3A_7, %get3A_19, %dot_general3A_20 {dimension_numbers = #tpu.dot_dimension_numbers<[1], [0], [0], [1], [0, 0, 1, 1], [], []>, transpose_lhs_hint = false} : vector<1000x16xf32>, vector<16x256xf32>, vector<1000x256xf32> -> vector<1000x256xf32>
    %add3A_22 = arith.addf %add3A, %dot_general3A_21 : vector<1000x256xf32>
    %get3A_23 = arith.constant 0 : index
    %get3A_24 = arith.constant 0 : index
    %get3A_25 = vector.load %arg7[%get3A_23, %get3A_24] : memref<1x256xf32, #tpu.memory_space<vmem>>, vector<1x256xf32>
    %add3A_26 = vector.broadcast %get3A_25 : vector<1x256xf32> to vector<1000x256xf32>
    %add3A_27 = arith.addf %add3A_22, %add3A_26 : vector<1000x256xf32>
    %get3A_28 = arith.constant 0 : index
    %get3A_29 = arith.constant 0 : index
    %get3A_30 = vector.load %arg8[%get3A_28, %get3A_29] : memref<1x256xf32, #tpu.memory_space<vmem>>, vector<1x256xf32>
    %get3A_31 = arith.constant 0 : index
    %get3A_32 = arith.constant 0 : index
    %get3A_33 = vector.load %arg9[%get3A_31, %get3A_32] : memref<1x256xf32, #tpu.memory_space<vmem>>, vector<1x256xf32>
    %reduce_sum3A = arith.constant dense<0.000000e+00> : vector<1000xf32>
    %reduce_sum3A_34 = vector.multi_reduction <add>, %add3A_27, %reduce_sum3A [1] : vector<1000x256xf32> to vector<1000xf32>
    %broadcast_in_dim3A = vector.shape_cast %reduce_sum3A_34 : vector<1000xf32> to vector<1000x1xf32>
    %div3A = arith.constant 2.560000e+02 : f32
    %div3A_35 = vector.broadcast %div3A : f32 to vector<1000x1xf32>
    %div3A_36 = arith.divf %broadcast_in_dim3A, %div3A_35 : vector<1000x1xf32>
    %sub3A = vector.broadcast %div3A_36 : vector<1000x1xf32> to vector<1000x256xf32>
    %sub3A_37 = arith.subf %add3A_27, %sub3A : vector<1000x256xf32>
    %mul3A = arith.mulf %sub3A_37, %sub3A_37 : vector<1000x256xf32>
    %reduce_sum3A_38 = arith.constant dense<0.000000e+00> : vector<1000xf32>
    %reduce_sum3A_39 = vector.multi_reduction <add>, %mul3A, %reduce_sum3A_38 [1] : vector<1000x256xf32> to vector<1000xf32>
    %broadcast_in_dim3A_40 = vector.shape_cast %reduce_sum3A_39 : vector<1000xf32> to vector<1000x1xf32>
    %div3A_41 = arith.constant 2.560000e+02 : f32
    %div3A_42 = vector.broadcast %div3A_41 : f32 to vector<1000x1xf32>
    %div3A_43 = arith.divf %broadcast_in_dim3A_40, %div3A_42 : vector<1000x1xf32>
    %add3A_44 = arith.constant 9.99999974E-6 : f32
    %add3A_45 = vector.broadcast %add3A_44 : f32 to vector<1000x1xf32>
    %add3A_46 = arith.addf %div3A_43, %add3A_45 : vector<1000x1xf32>
    %rsqrt3A = math.rsqrt %add3A_46 : vector<1000x1xf32>
    %mul3A_47 = vector.broadcast %rsqrt3A : vector<1000x1xf32> to vector<1000x256xf32>
    %mul3A_48 = arith.mulf %sub3A_37, %mul3A_47 : vector<1000x256xf32>
    %mul3A_49 = vector.broadcast %get3A_30 : vector<1x256xf32> to vector<1000x256xf32>
    %mul3A_50 = arith.mulf %mul3A_48, %mul3A_49 : vector<1000x256xf32>
    %add3A_51 = vector.broadcast %get3A_33 : vector<1x256xf32> to vector<1000x256xf32>
    %add3A_52 = arith.addf %mul3A_50, %add3A_51 : vector<1000x256xf32>
    %max3A = arith.constant 0.000000e+00 : f32
    %max3A_53 = vector.broadcast %max3A : f32 to vector<1000x256xf32>
    %max3A_54 = arith.maximumf %add3A_52, %max3A_53 : vector<1000x256xf32>
    %get3A_55 = arith.constant 0 : index
    %get3A_56 = arith.constant 0 : index
    %get3A_57 = vector.load %arg13[%get3A_55, %get3A_56] : memref<256x16xf32, #tpu.memory_space<vmem>>, vector<256x16xf32>
    %dot_general3A_58 = arith.constant dense<0.000000e+00> : vector<1000x16xf32>
    %dot_general3A_59 = tpu.matmul %max3A_54, %get3A_57, %dot_general3A_58 {dimension_numbers = #tpu.dot_dimension_numbers<[1], [0], [0], [1], [0, 0, 1, 1], [], []>, transpose_lhs_hint = false} : vector<1000x256xf32>, vector<256x16xf32>, vector<1000x16xf32> -> vector<1000x16xf32>
    %get3A_60 = arith.constant 0 : index
    %get3A_61 = arith.constant 0 : index
    %get3A_62 = vector.load %arg14[%get3A_60, %get3A_61] : memref<1x16xf32, #tpu.memory_space<vmem>>, vector<1x16xf32>
    %add3A_63 = vector.broadcast %get3A_62 : vector<1x16xf32> to vector<1000x16xf32>
    %add3A_64 = arith.addf %dot_general3A_59, %add3A_63 : vector<1000x16xf32>
    %get3A_65 = arith.constant 0 : index
    %get3A_66 = arith.constant 0 : index
    %get3A_67 = vector.load %arg15[%get3A_65, %get3A_66] : memref<1x16xf32, #tpu.memory_space<vmem>>, vector<1x16xf32>
    %get3A_68 = arith.constant 0 : index
    %get3A_69 = arith.constant 0 : index
    %get3A_70 = vector.load %arg16[%get3A_68, %get3A_69] : memref<1x16xf32, #tpu.memory_space<vmem>>, vector<1x16xf32>
    %reduce_sum3A_71 = arith.constant dense<0.000000e+00> : vector<1000xf32>
    %reduce_sum3A_72 = vector.multi_reduction <add>, %add3A_64, %reduce_sum3A_71 [1] : vector<1000x16xf32> to vector<1000xf32>
    %broadcast_in_dim3A_73 = vector.shape_cast %reduce_sum3A_72 : vector<1000xf32> to vector<1000x1xf32>
    %div3A_74 = arith.constant 1.600000e+01 : f32
    %div3A_75 = vector.broadcast %div3A_74 : f32 to vector<1000x1xf32>
    %div3A_76 = arith.divf %broadcast_in_dim3A_73, %div3A_75 : vector<1000x1xf32>
    %sub3A_77 = vector.broadcast %div3A_76 : vector<1000x1xf32> to vector<1000x16xf32>
    %sub3A_78 = arith.subf %add3A_64, %sub3A_77 : vector<1000x16xf32>
    %mul3A_79 = arith.mulf %sub3A_78, %sub3A_78 : vector<1000x16xf32>
    %reduce_sum3A_80 = arith.constant dense<0.000000e+00> : vector<1000xf32>
    %reduce_sum3A_81 = vector.multi_reduction <add>, %mul3A_79, %reduce_sum3A_80 [1] : vector<1000x16xf32> to vector<1000xf32>
    %broadcast_in_dim3A_82 = vector.shape_cast %reduce_sum3A_81 : vector<1000xf32> to vector<1000x1xf32>
    %div3A_83 = arith.constant 1.600000e+01 : f32
    %div3A_84 = vector.broadcast %div3A_83 : f32 to vector<1000x1xf32>
    %div3A_85 = arith.divf %broadcast_in_dim3A_82, %div3A_84 : vector<1000x1xf32>
    %add3A_86 = arith.constant 9.99999974E-6 : f32
    %add3A_87 = vector.broadcast %add3A_86 : f32 to vector<1000x1xf32>
    %add3A_88 = arith.addf %div3A_85, %add3A_87 : vector<1000x1xf32>
    %rsqrt3A_89 = math.rsqrt %add3A_88 : vector<1000x1xf32>
    %mul3A_90 = vector.broadcast %rsqrt3A_89 : vector<1000x1xf32> to vector<1000x16xf32>
    %mul3A_91 = arith.mulf %sub3A_78, %mul3A_90 : vector<1000x16xf32>
    %mul3A_92 = vector.broadcast %get3A_67 : vector<1x16xf32> to vector<1000x16xf32>
    %mul3A_93 = arith.mulf %mul3A_91, %mul3A_92 : vector<1000x16xf32>
    %add3A_94 = vector.broadcast %get3A_70 : vector<1x16xf32> to vector<1000x16xf32>
    %add3A_95 = arith.addf %mul3A_93, %add3A_94 : vector<1000x16xf32>
    %max3A_96 = arith.constant 0.000000e+00 : f32
    %max3A_97 = vector.broadcast %max3A_96 : f32 to vector<1000x16xf32>
    %max3A_98 = arith.maximumf %add3A_95, %max3A_97 : vector<1000x16xf32>
    %add3A_99 = arith.addf %get3A_7, %max3A_98 : vector<1000x16xf32>
    %get3A_100 = arith.constant 0 : index
    %get3A_101 = arith.constant 0 : index
    %get3A_102 = vector.load %arg17[%get3A_100, %get3A_101] : memref<1x16xf32, #tpu.memory_space<vmem>>, vector<1x16xf32>
    %get3A_103 = arith.constant 0 : index
    %get3A_104 = arith.constant 0 : index
    %get3A_105 = vector.load %arg18[%get3A_103, %get3A_104] : memref<1x16xf32, #tpu.memory_space<vmem>>, vector<1x16xf32>
    %reduce_sum3A_106 = arith.constant dense<0.000000e+00> : vector<1000xf32>
    %reduce_sum3A_107 = vector.multi_reduction <add>, %add3A_99, %reduce_sum3A_106 [1] : vector<1000x16xf32> to vector<1000xf32>
    %broadcast_in_dim3A_108 = vector.shape_cast %reduce_sum3A_107 : vector<1000xf32> to vector<1000x1xf32>
    %div3A_109 = arith.constant 1.600000e+01 : f32
    %div3A_110 = vector.broadcast %div3A_109 : f32 to vector<1000x1xf32>
    %div3A_111 = arith.divf %broadcast_in_dim3A_108, %div3A_110 : vector<1000x1xf32>
    %sub3A_112 = vector.broadcast %div3A_111 : vector<1000x1xf32> to vector<1000x16xf32>
    %sub3A_113 = arith.subf %add3A_99, %sub3A_112 : vector<1000x16xf32>
    %mul3A_114 = arith.mulf %sub3A_113, %sub3A_113 : vector<1000x16xf32>
    %reduce_sum3A_115 = arith.constant dense<0.000000e+00> : vector<1000xf32>
    %reduce_sum3A_116 = vector.multi_reduction <add>, %mul3A_114, %reduce_sum3A_115 [1] : vector<1000x16xf32> to vector<1000xf32>
    %broadcast_in_dim3A_117 = vector.shape_cast %reduce_sum3A_116 : vector<1000xf32> to vector<1000x1xf32>
    %div3A_118 = arith.constant 1.600000e+01 : f32
    %div3A_119 = vector.broadcast %div3A_118 : f32 to vector<1000x1xf32>
    %div3A_120 = arith.divf %broadcast_in_dim3A_117, %div3A_119 : vector<1000x1xf32>
    %add3A_121 = arith.constant 9.99999974E-6 : f32
    %add3A_122 = vector.broadcast %add3A_121 : f32 to vector<1000x1xf32>
    %add3A_123 = arith.addf %div3A_120, %add3A_122 : vector<1000x1xf32>
    %rsqrt3A_124 = math.rsqrt %add3A_123 : vector<1000x1xf32>
    %mul3A_125 = vector.broadcast %rsqrt3A_124 : vector<1000x1xf32> to vector<1000x16xf32>
    %mul3A_126 = arith.mulf %sub3A_113, %mul3A_125 : vector<1000x16xf32>
    %mul3A_127 = vector.broadcast %get3A_102 : vector<1x16xf32> to vector<1000x16xf32>
    %mul3A_128 = arith.mulf %mul3A_126, %mul3A_127 : vector<1000x16xf32>
    %add3A_129 = vector.broadcast %get3A_105 : vector<1x16xf32> to vector<1000x16xf32>
    %add3A_130 = arith.addf %mul3A_128, %add3A_129 : vector<1000x16xf32>
    %swap3A = arith.constant 0 : index
    %swap3A_131 = arith.constant 0 : index
    %swap3A_132 = vector.load %arg21[%swap3A, %swap3A_131] : memref<1000x16xf32, #tpu.memory_space<vmem>>, vector<1000x16xf32>
    tpu.vector_store %arg21[%swap3A, %swap3A_131], %add3A_130 {strides = array<i32>} : memref<1000x16xf32, #tpu.memory_space<vmem>>, vector<1000x16xf32>,
    %get3A_133 = arith.constant 0 : index
    %get3A_134 = arith.constant 0 : index
    %get3A_135 = vector.load %arg10[%get3A_133, %get3A_134] : memref<256x256xf32, #tpu.memory_space<vmem>>, vector<256x256xf32>
    %dot_general3A_136 = arith.constant dense<0.000000e+00> : vector<1000x256xf32>
    %dot_general3A_137 = tpu.matmul %get3A_1, %get3A_135, %dot_general3A_136 {dimension_numbers = #tpu.dot_dimension_numbers<[1], [0], [0], [1], [0, 0, 1, 1], [], []>, transpose_lhs_hint = false} : vector<1000x256xf32>, vector<256x256xf32>, vector<1000x256xf32> -> vector<1000x256xf32>
    %get3A_138 = arith.constant 0 : index
    %get3A_139 = arith.constant 0 : index
    %get3A_140 = vector.load %arg11[%get3A_138, %get3A_139] : memref<256x256xf32, #tpu.memory_space<vmem>>, vector<256x256xf32>
    %dot_general3A_141 = arith.constant dense<0.000000e+00> : vector<1000x256xf32>
    %dot_general3A_142 = tpu.matmul %max3A_54, %get3A_140, %dot_general3A_141 {dimension_numbers = #tpu.dot_dimension_numbers<[1], [0], [0], [1], [0, 0, 1, 1], [], []>, transpose_lhs_hint = false} : vector<1000x256xf32>, vector<256x256xf32>, vector<1000x256xf32> -> vector<1000x256xf32>
    %get3A_143 = arith.constant 0 : index
    %get3A_144 = arith.constant 0 : index
    %get3A_145 = vector.load %arg12[%get3A_143, %get3A_144] : memref<256x256xf32, #tpu.memory_space<vmem>>, vector<256x256xf32>
    %dot_general3A_146 = arith.constant dense<0.000000e+00> : vector<1000x256xf32>
    %dot_general3A_147 = tpu.matmul %max3A_54, %get3A_145, %dot_general3A_146 {dimension_numbers = #tpu.dot_dimension_numbers<[1], [0], [0], [1], [0, 0, 1, 1], [], []>, transpose_lhs_hint = false} : vector<1000x256xf32>, vector<256x256xf32>, vector<1000x256xf32> -> vector<1000x256xf32>
    %mul3A_148 = arith.mulf %dot_general3A_137, %dot_general3A_142 : vector<1000x256xf32>
    %get3A_149 = arith.constant 0 : index
    %get3A_150 = arith.constant 0 : index
    %get3A_151 = vector.load %arg19[%get3A_149, %get3A_150] : memref<256x8xf32, #tpu.memory_space<vmem>>, vector<256x8xf32>
    %dot_general3A_152 = arith.constant dense<0.000000e+00> : vector<1000x8xf32>
    %dot_general3A_153 = tpu.matmul %mul3A_148, %get3A_151, %dot_general3A_152 {dimension_numbers = #tpu.dot_dimension_numbers<[1], [0], [0], [1], [0, 0, 1, 1], [], []>, transpose_lhs_hint = false} : vector<1000x256xf32>, vector<256x8xf32>, vector<1000x8xf32> -> vector<1000x8xf32>
    %mul3A_154 = arith.constant 0.176776692 : f32
    %mul3A_155 = vector.broadcast %mul3A_154 : f32 to vector<1000x8xf32>
    %mul3A_156 = arith.mulf %dot_general3A_153, %mul3A_155 : vector<1000x8xf32>
    %exp3A = math.exp %mul3A_156 : vector<1000x8xf32>
    %broadcast_in_dim3A_157 = arith.constant 0.000000e+00 : f32
    %broadcast_in_dim3A_158 = vector.broadcast %broadcast_in_dim3A_157 : f32 to vector<1000x8xf32>
    %concatenate3A = tpu.concatenate %exp3A, %broadcast_in_dim3A_158 in 1 : vector<1000x8xf32>, vector<1000x8xf32> -> vector<1000x16xf32>
    %swap3A_159 = arith.constant 0 : index
    %swap3A_160 = arith.constant 0 : index
    %swap3A_161 = vector.load %arg22[%swap3A_159, %swap3A_160] : memref<1000x16xf32, #tpu.memory_space<vmem>>, vector<1000x16xf32>
    tpu.vector_store %arg22[%swap3A_159, %swap3A_160], %concatenate3A {strides = array<i32>} : memref<1000x16xf32, #tpu.memory_space<vmem>>, vector<1000x16xf32>,
    %get3A_162 = arith.constant 0 : index
    %get3A_163 = arith.constant 0 : index
    %get3A_164 = vector.load %arg20[%get3A_162, %get3A_163] : memref<8x256xf32, #tpu.memory_space<vmem>>, vector<8x256xf32>
    %dot_general3A_165 = arith.constant dense<0.000000e+00> : vector<1000x256xf32>
    %dot_general3A_166 = tpu.matmul %exp3A, %get3A_164, %dot_general3A_165 {dimension_numbers = #tpu.dot_dimension_numbers<[1], [0], [0], [1], [0, 0, 1, 1], [], []>, transpose_lhs_hint = false} : vector<1000x8xf32>, vector<8x256xf32>, vector<1000x256xf32> -> vector<1000x256xf32>
    %mul3A_167 = arith.mulf %dot_general3A_147, %dot_general3A_166 : vector<1000x256xf32>
    %swap3A_168 = arith.constant 0 : index
    %swap3A_169 = arith.constant 0 : index
    %swap3A_170 = vector.load %arg23[%swap3A_168, %swap3A_169] : memref<1000x256xf32, #tpu.memory_space<vmem>>, vector<1000x256xf32>
    tpu.vector_store %arg23[%swap3A_168, %swap3A_169], %mul3A_167 {strides = array<i32>} : memref<1000x256xf32, #tpu.memory_space<vmem>>, vector<1000x256xf32>,
    return
  }
  func.func @transform_0(%arg0: i32) -> (i32, i32) {
    %c0_i32 = arith.constant 0 : i32
    %c0_i32_0 = arith.constant 0 : i32
    return %arg0, %c0_i32 : i32, i32
  }
  func.func @transform_1(%arg0: i32) -> (i32, i32) {
    %c0_i32 = arith.constant 0 : i32
    %c0_i32_0 = arith.constant 0 : i32
    return %arg0, %c0_i32 : i32, i32
  }
  func.func @transform_2(%arg0: i32) -> (i32, i32) {
    %c0_i32 = arith.constant 0 : i32
    %c0_i32_0 = arith.constant 0 : i32
    return %arg0, %c0_i32 : i32, i32
  }
  func.func @transform_3(%arg0: i32) -> (i32, i32) {
    %c0_i32 = arith.constant 0 : i32
    %c0_i32_0 = arith.constant 0 : i32
    %c0_i32_1 = arith.constant 0 : i32
    return %c0_i32, %c0_i32_0 : i32, i32
  }
  func.func @transform_4(%arg0: i32) -> (i32, i32) {
    %c0_i32 = arith.constant 0 : i32
    %c0_i32_0 = arith.constant 0 : i32
    %c0_i32_1 = arith.constant 0 : i32
    return %c0_i32, %c0_i32_0 : i32, i32
  }
  func.func @transform_5(%arg0: i32) -> (i32, i32) {
    %c0_i32 = arith.constant 0 : i32
    %c0_i32_0 = arith.constant 0 : i32
    %c0_i32_1 = arith.constant 0 : i32
    return %c0_i32, %c0_i32_0 : i32, i32
  }
  func.func @transform_6(%arg0: i32) -> (i32, i32) {
    %c0_i32 = arith.constant 0 : i32
    %c0_i32_0 = arith.constant 0 : i32
    %c0_i32_1 = arith.constant 0 : i32
    return %c0_i32, %c0_i32_0 : i32, i32
  }
  func.func @transform_7(%arg0: i32) -> (i32, i32) {
    %c0_i32 = arith.constant 0 : i32
    %c0_i32_0 = arith.constant 0 : i32
    %c0_i32_1 = arith.constant 0 : i32
    return %c0_i32, %c0_i32_0 : i32, i32
  }
  func.func @transform_8(%arg0: i32) -> (i32, i32) {
    %c0_i32 = arith.constant 0 : i32
    %c0_i32_0 = arith.constant 0 : i32
    %c0_i32_1 = arith.constant 0 : i32
    return %c0_i32, %c0_i32_0 : i32, i32
  }
  func.func @transform_9(%arg0: i32) -> (i32, i32) {
    %c0_i32 = arith.constant 0 : i32
    %c0_i32_0 = arith.constant 0 : i32
    %c0_i32_1 = arith.constant 0 : i32
    return %c0_i32, %c0_i32_0 : i32, i32
  }
  func.func @transform_10(%arg0: i32) -> (i32, i32) {
    %c0_i32 = arith.constant 0 : i32
    %c0_i32_0 = arith.constant 0 : i32
    %c0_i32_1 = arith.constant 0 : i32
    return %c0_i32, %c0_i32_0 : i32, i32
  }
  func.func @transform_11(%arg0: i32) -> (i32, i32) {
    %c0_i32 = arith.constant 0 : i32
    %c0_i32_0 = arith.constant 0 : i32
    %c0_i32_1 = arith.constant 0 : i32
    return %c0_i32, %c0_i32_0 : i32, i32
  }
  func.func @transform_12(%arg0: i32) -> (i32, i32) {
    %c0_i32 = arith.constant 0 : i32
    %c0_i32_0 = arith.constant 0 : i32
    %c0_i32_1 = arith.constant 0 : i32
    return %c0_i32, %c0_i32_0 : i32, i32
  }
  func.func @transform_13(%arg0: i32) -> (i32, i32) {
    %c0_i32 = arith.constant 0 : i32
    %c0_i32_0 = arith.constant 0 : i32
    %c0_i32_1 = arith.constant 0 : i32
    return %c0_i32, %c0_i32_0 : i32, i32
  }
  func.func @transform_14(%arg0: i32) -> (i32, i32) {
    %c0_i32 = arith.constant 0 : i32
    %c0_i32_0 = arith.constant 0 : i32
    %c0_i32_1 = arith.constant 0 : i32
    return %c0_i32, %c0_i32_0 : i32, i32
  }
  func.func @transform_15(%arg0: i32) -> (i32, i32) {
    %c0_i32 = arith.constant 0 : i32
    %c0_i32_0 = arith.constant 0 : i32
    %c0_i32_1 = arith.constant 0 : i32
    return %c0_i32, %c0_i32_0 : i32, i32
  }
  func.func @transform_16(%arg0: i32) -> (i32, i32) {
    %c0_i32 = arith.constant 0 : i32
    %c0_i32_0 = arith.constant 0 : i32
    %c0_i32_1 = arith.constant 0 : i32
    return %c0_i32, %c0_i32_0 : i32, i32
  }
  func.func @transform_17(%arg0: i32) -> (i32, i32) {
    %c0_i32 = arith.constant 0 : i32
    %c0_i32_0 = arith.constant 0 : i32
    %c0_i32_1 = arith.constant 0 : i32
    return %c0_i32, %c0_i32_0 : i32, i32
  }
  func.func @transform_18(%arg0: i32) -> (i32, i32) {
    %c0_i32 = arith.constant 0 : i32
    %c0_i32_0 = arith.constant 0 : i32
    %c0_i32_1 = arith.constant 0 : i32
    return %c0_i32, %c0_i32_0 : i32, i32
  }
  func.func @transform_19(%arg0: i32) -> (i32, i32) {
    %c0_i32 = arith.constant 0 : i32
    %c0_i32_0 = arith.constant 0 : i32
    %c0_i32_1 = arith.constant 0 : i32
    return %c0_i32, %c0_i32_0 : i32, i32
  }
  func.func @transform_20(%arg0: i32) -> (i32, i32) {
    %c0_i32 = arith.constant 0 : i32
    %c0_i32_0 = arith.constant 0 : i32
    return %arg0, %c0_i32 : i32, i32
  }
  func.func @transform_21(%arg0: i32) -> (i32, i32) {
    %c0_i32 = arith.constant 0 : i32
    %c0_i32_0 = arith.constant 0 : i32
    return %arg0, %c0_i32 : i32, i32
  }
  func.func @transform_22(%arg0: i32) -> (i32, i32) {
    %c0_i32 = arith.constant 0 : i32
    %c0_i32_0 = arith.constant 0 : i32
    return %arg0, %c0_i32 : i32, i32
  }
}

module attributes {stable_mosaic.version = 14 : i64} {
  func.func @_node_tc(%arg0: i32, %arg1: memref<1000x256xf32, #tpu.memory_space<vmem>>, %arg2: memref<1000x256xf32, #tpu.memory_space<vmem>>, %arg3: memref<1000x16xf32, #tpu.memory_space<vmem>>, %arg4: memref<256x256xf32, #tpu.memory_space<vmem>>, %arg5: memref<256x1024xf32, #tpu.memory_space<vmem>>, %arg6: memref<1x1024xf32, #tpu.memory_space<vmem>>, %arg7: memref<1024x256xf32, #tpu.memory_space<vmem>>, %arg8: memref<1x256xf32, #tpu.memory_space<vmem>>, %arg9: memref<1x256xf32, #tpu.memory_space<vmem>>, %arg10: memref<1x256xf32, #tpu.memory_space<vmem>>, %arg11: memref<1x256xf32, #tpu.memory_space<vmem>>, %arg12: memref<1x256xf32, #tpu.memory_space<vmem>>, %arg13: memref<16x256xf32, #tpu.memory_space<vmem>>, %arg14: memref<1000x256xf32, #tpu.memory_space<vmem>>) attributes {dimension_semantics = [#tpu.dimension_semantics<arbitrary>], iteration_bounds = array<i64: 10>, scalar_prefetch = 0 : i64, scratch_operands = 0 : i64, tpu.core_type = #tpu.core_type<tc>, window_params = [{transform_indices = @transform_0, window_bounds = array<i64: 1000, 256>}, {transform_indices = @transform_1, window_bounds = array<i64: 1000, 256>}, {transform_indices = @transform_2, window_bounds = array<i64: 1000, 16>}, {pipeline_mode = #tpu.pipeline_mode<synchronous>, transform_indices = @transform_3, window_bounds = array<i64: 256, 256>}, {pipeline_mode = #tpu.pipeline_mode<synchronous>, transform_indices = @transform_4, window_bounds = array<i64: 256, 1024>}, {pipeline_mode = #tpu.pipeline_mode<synchronous>, transform_indices = @transform_5, window_bounds = array<i64: 1, 1024>}, {pipeline_mode = #tpu.pipeline_mode<synchronous>, transform_indices = @transform_6, window_bounds = array<i64: 1024, 256>}, {pipeline_mode = #tpu.pipeline_mode<synchronous>, transform_indices = @transform_7, window_bounds = array<i64: 1, 256>}, {pipeline_mode = #tpu.pipeline_mode<synchronous>, transform_indices = @transform_8, window_bounds = array<i64: 1, 256>}, {pipeline_mode = #tpu.pipeline_mode<synchronous>, transform_indices = @transform_9, window_bounds = array<i64: 1, 256>}, {pipeline_mode = #tpu.pipeline_mode<synchronous>, transform_indices = @transform_10, window_bounds = array<i64: 1, 256>}, {pipeline_mode = #tpu.pipeline_mode<synchronous>, transform_indices = @transform_11, window_bounds = array<i64: 1, 256>}, {pipeline_mode = #tpu.pipeline_mode<synchronous>, transform_indices = @transform_12, window_bounds = array<i64: 16, 256>}, {transform_indices = @transform_13, window_bounds = array<i64: 1000, 256>}]} {
    %get3A = arith.constant 0 : index
    %get3A_0 = arith.constant 0 : index
    %get3A_1 = vector.load %arg1[%get3A, %get3A_0] : memref<1000x256xf32, #tpu.memory_space<vmem>>, vector<1000x256xf32>
    %get3A_2 = arith.constant 0 : index
    %get3A_3 = arith.constant 0 : index
    %get3A_4 = vector.load %arg3[%get3A_2, %get3A_3] : memref<1000x16xf32, #tpu.memory_space<vmem>>, vector<1000x16xf32>
    %add3A = arith.constant 1.000000e-16 : f32
    %add3A_5 = vector.broadcast %add3A : f32 to vector<1000x16xf32>
    %add3A_6 = arith.addf %get3A_4, %add3A_5 : vector<1000x16xf32>
    %div3A = arith.constant 1.000000e+00 : f32
    %div3A_7 = vector.broadcast %div3A : f32 to vector<1000x16xf32>
    %div3A_8 = arith.divf %div3A_7, %add3A_6 : vector<1000x16xf32>
    %get3A_9 = arith.constant 0 : index
    %get3A_10 = arith.constant 0 : index
    %get3A_11 = vector.load %arg2[%get3A_9, %get3A_10] : memref<1000x256xf32, #tpu.memory_space<vmem>>, vector<1000x256xf32>
    %get3A_12 = arith.constant 0 : index
    %get3A_13 = arith.constant 0 : index
    %get3A_14 = vector.load %arg13[%get3A_12, %get3A_13] : memref<16x256xf32, #tpu.memory_space<vmem>>, vector<16x256xf32>
    %dot_general3A = arith.constant dense<0.000000e+00> : vector<1000x256xf32>
    %dot_general3A_15 = tpu.matmul %div3A_8, %get3A_14, %dot_general3A {dimension_numbers = #tpu.dot_dimension_numbers<[1], [0], [0], [1], [0, 0, 1, 1], [], []>, transpose_lhs_hint = false} : vector<1000x16xf32>, vector<16x256xf32>, vector<1000x256xf32> -> vector<1000x256xf32>
    %mul3A = arith.mulf %get3A_11, %dot_general3A_15 : vector<1000x256xf32>
    %get3A_16 = arith.constant 0 : index
    %get3A_17 = arith.constant 0 : index
    %get3A_18 = vector.load %arg4[%get3A_16, %get3A_17] : memref<256x256xf32, #tpu.memory_space<vmem>>, vector<256x256xf32>
    %dot_general3A_19 = arith.constant dense<0.000000e+00> : vector<1000x256xf32>
    %dot_general3A_20 = tpu.matmul %mul3A, %get3A_18, %dot_general3A_19 {dimension_numbers = #tpu.dot_dimension_numbers<[1], [0], [0], [1], [0, 0, 1, 1], [], []>, transpose_lhs_hint = false} : vector<1000x256xf32>, vector<256x256xf32>, vector<1000x256xf32> -> vector<1000x256xf32>
    %add3A_21 = arith.addf %get3A_1, %dot_general3A_20 : vector<1000x256xf32>
    %get3A_22 = arith.constant 0 : index
    %get3A_23 = arith.constant 0 : index
    %get3A_24 = vector.load %arg9[%get3A_22, %get3A_23] : memref<1x256xf32, #tpu.memory_space<vmem>>, vector<1x256xf32>
    %get3A_25 = arith.constant 0 : index
    %get3A_26 = arith.constant 0 : index
    %get3A_27 = vector.load %arg10[%get3A_25, %get3A_26] : memref<1x256xf32, #tpu.memory_space<vmem>>, vector<1x256xf32>
    %reduce_sum3A = arith.constant dense<0.000000e+00> : vector<1000xf32>
    %reduce_sum3A_28 = vector.multi_reduction <add>, %add3A_21, %reduce_sum3A [1] : vector<1000x256xf32> to vector<1000xf32>
    %broadcast_in_dim3A = vector.shape_cast %reduce_sum3A_28 : vector<1000xf32> to vector<1000x1xf32>
    %div3A_29 = arith.constant 2.560000e+02 : f32
    %div3A_30 = vector.broadcast %div3A_29 : f32 to vector<1000x1xf32>
    %div3A_31 = arith.divf %broadcast_in_dim3A, %div3A_30 : vector<1000x1xf32>
    %sub3A = vector.broadcast %div3A_31 : vector<1000x1xf32> to vector<1000x256xf32>
    %sub3A_32 = arith.subf %add3A_21, %sub3A : vector<1000x256xf32>
    %mul3A_33 = arith.mulf %sub3A_32, %sub3A_32 : vector<1000x256xf32>
    %reduce_sum3A_34 = arith.constant dense<0.000000e+00> : vector<1000xf32>
    %reduce_sum3A_35 = vector.multi_reduction <add>, %mul3A_33, %reduce_sum3A_34 [1] : vector<1000x256xf32> to vector<1000xf32>
    %broadcast_in_dim3A_36 = vector.shape_cast %reduce_sum3A_35 : vector<1000xf32> to vector<1000x1xf32>
    %div3A_37 = arith.constant 2.560000e+02 : f32
    %div3A_38 = vector.broadcast %div3A_37 : f32 to vector<1000x1xf32>
    %div3A_39 = arith.divf %broadcast_in_dim3A_36, %div3A_38 : vector<1000x1xf32>
    %add3A_40 = arith.constant 9.99999974E-6 : f32
    %add3A_41 = vector.broadcast %add3A_40 : f32 to vector<1000x1xf32>
    %add3A_42 = arith.addf %div3A_39, %add3A_41 : vector<1000x1xf32>
    %rsqrt3A = math.rsqrt %add3A_42 : vector<1000x1xf32>
    %mul3A_43 = vector.broadcast %rsqrt3A : vector<1000x1xf32> to vector<1000x256xf32>
    %mul3A_44 = arith.mulf %sub3A_32, %mul3A_43 : vector<1000x256xf32>
    %mul3A_45 = vector.broadcast %get3A_24 : vector<1x256xf32> to vector<1000x256xf32>
    %mul3A_46 = arith.mulf %mul3A_44, %mul3A_45 : vector<1000x256xf32>
    %add3A_47 = vector.broadcast %get3A_27 : vector<1x256xf32> to vector<1000x256xf32>
    %add3A_48 = arith.addf %mul3A_46, %add3A_47 : vector<1000x256xf32>
    %get3A_49 = arith.constant 0 : index
    %get3A_50 = arith.constant 0 : index
    %get3A_51 = vector.load %arg5[%get3A_49, %get3A_50] : memref<256x1024xf32, #tpu.memory_space<vmem>>, vector<256x1024xf32>
    %dot_general3A_52 = arith.constant dense<0.000000e+00> : vector<1000x1024xf32>
    %dot_general3A_53 = tpu.matmul %add3A_48, %get3A_51, %dot_general3A_52 {dimension_numbers = #tpu.dot_dimension_numbers<[1], [0], [0], [1], [0, 0, 1, 1], [], []>, transpose_lhs_hint = false} : vector<1000x256xf32>, vector<256x1024xf32>, vector<1000x1024xf32> -> vector<1000x1024xf32>
    %get3A_54 = arith.constant 0 : index
    %get3A_55 = arith.constant 0 : index
    %get3A_56 = vector.load %arg6[%get3A_54, %get3A_55] : memref<1x1024xf32, #tpu.memory_space<vmem>>, vector<1x1024xf32>
    %add3A_57 = vector.broadcast %get3A_56 : vector<1x1024xf32> to vector<1000x1024xf32>
    %add3A_58 = arith.addf %dot_general3A_53, %add3A_57 : vector<1000x1024xf32>
    %max3A = arith.constant 0.000000e+00 : f32
    %max3A_59 = vector.broadcast %max3A : f32 to vector<1000x1024xf32>
    %max3A_60 = arith.maximumf %add3A_58, %max3A_59 : vector<1000x1024xf32>
    %get3A_61 = arith.constant 0 : index
    %get3A_62 = arith.constant 0 : index
    %get3A_63 = vector.load %arg7[%get3A_61, %get3A_62] : memref<1024x256xf32, #tpu.memory_space<vmem>>, vector<1024x256xf32>
    %dot_general3A_64 = arith.constant dense<0.000000e+00> : vector<1000x256xf32>
    %dot_general3A_65 = tpu.matmul %max3A_60, %get3A_63, %dot_general3A_64 {dimension_numbers = #tpu.dot_dimension_numbers<[1], [0], [0], [1], [0, 0, 1, 1], [], []>, transpose_lhs_hint = false} : vector<1000x1024xf32>, vector<1024x256xf32>, vector<1000x256xf32> -> vector<1000x256xf32>
    %get3A_66 = arith.constant 0 : index
    %get3A_67 = arith.constant 0 : index
    %get3A_68 = vector.load %arg8[%get3A_66, %get3A_67] : memref<1x256xf32, #tpu.memory_space<vmem>>, vector<1x256xf32>
    %add3A_69 = vector.broadcast %get3A_68 : vector<1x256xf32> to vector<1000x256xf32>
    %add3A_70 = arith.addf %dot_general3A_65, %add3A_69 : vector<1000x256xf32>
    %add3A_71 = arith.addf %add3A_48, %add3A_70 : vector<1000x256xf32>
    %get3A_72 = arith.constant 0 : index
    %get3A_73 = arith.constant 0 : index
    %get3A_74 = vector.load %arg11[%get3A_72, %get3A_73] : memref<1x256xf32, #tpu.memory_space<vmem>>, vector<1x256xf32>
    %get3A_75 = arith.constant 0 : index
    %get3A_76 = arith.constant 0 : index
    %get3A_77 = vector.load %arg12[%get3A_75, %get3A_76] : memref<1x256xf32, #tpu.memory_space<vmem>>, vector<1x256xf32>
    %reduce_sum3A_78 = arith.constant dense<0.000000e+00> : vector<1000xf32>
    %reduce_sum3A_79 = vector.multi_reduction <add>, %add3A_71, %reduce_sum3A_78 [1] : vector<1000x256xf32> to vector<1000xf32>
    %broadcast_in_dim3A_80 = vector.shape_cast %reduce_sum3A_79 : vector<1000xf32> to vector<1000x1xf32>
    %div3A_81 = arith.constant 2.560000e+02 : f32
    %div3A_82 = vector.broadcast %div3A_81 : f32 to vector<1000x1xf32>
    %div3A_83 = arith.divf %broadcast_in_dim3A_80, %div3A_82 : vector<1000x1xf32>
    %sub3A_84 = vector.broadcast %div3A_83 : vector<1000x1xf32> to vector<1000x256xf32>
    %sub3A_85 = arith.subf %add3A_71, %sub3A_84 : vector<1000x256xf32>
    %mul3A_86 = arith.mulf %sub3A_85, %sub3A_85 : vector<1000x256xf32>
    %reduce_sum3A_87 = arith.constant dense<0.000000e+00> : vector<1000xf32>
    %reduce_sum3A_88 = vector.multi_reduction <add>, %mul3A_86, %reduce_sum3A_87 [1] : vector<1000x256xf32> to vector<1000xf32>
    %broadcast_in_dim3A_89 = vector.shape_cast %reduce_sum3A_88 : vector<1000xf32> to vector<1000x1xf32>
    %div3A_90 = arith.constant 2.560000e+02 : f32
    %div3A_91 = vector.broadcast %div3A_90 : f32 to vector<1000x1xf32>
    %div3A_92 = arith.divf %broadcast_in_dim3A_89, %div3A_91 : vector<1000x1xf32>
    %add3A_93 = arith.constant 9.99999974E-6 : f32
    %add3A_94 = vector.broadcast %add3A_93 : f32 to vector<1000x1xf32>
    %add3A_95 = arith.addf %div3A_92, %add3A_94 : vector<1000x1xf32>
    %rsqrt3A_96 = math.rsqrt %add3A_95 : vector<1000x1xf32>
    %mul3A_97 = vector.broadcast %rsqrt3A_96 : vector<1000x1xf32> to vector<1000x256xf32>
    %mul3A_98 = arith.mulf %sub3A_85, %mul3A_97 : vector<1000x256xf32>
    %mul3A_99 = vector.broadcast %get3A_74 : vector<1x256xf32> to vector<1000x256xf32>
    %mul3A_100 = arith.mulf %mul3A_98, %mul3A_99 : vector<1000x256xf32>
    %add3A_101 = vector.broadcast %get3A_77 : vector<1x256xf32> to vector<1000x256xf32>
    %add3A_102 = arith.addf %mul3A_100, %add3A_101 : vector<1000x256xf32>
    %swap3A = arith.constant 0 : index
    %swap3A_103 = arith.constant 0 : index
    %swap3A_104 = vector.load %arg14[%swap3A, %swap3A_103] : memref<1000x256xf32, #tpu.memory_space<vmem>>, vector<1000x256xf32>
    tpu.vector_store %arg14[%swap3A, %swap3A_103], %add3A_102 {strides = array<i32>} : memref<1000x256xf32, #tpu.memory_space<vmem>>, vector<1000x256xf32>,
    return
  }
  func.func @transform_0(%arg0: i32) -> (i32, i32) {
    %c0_i32 = arith.constant 0 : i32
    %c0_i32_0 = arith.constant 0 : i32
    return %arg0, %c0_i32 : i32, i32
  }
  func.func @transform_1(%arg0: i32) -> (i32, i32) {
    %c0_i32 = arith.constant 0 : i32
    %c0_i32_0 = arith.constant 0 : i32
    return %arg0, %c0_i32 : i32, i32
  }
  func.func @transform_2(%arg0: i32) -> (i32, i32) {
    %c0_i32 = arith.constant 0 : i32
    %c0_i32_0 = arith.constant 0 : i32
    return %arg0, %c0_i32 : i32, i32
  }
  func.func @transform_3(%arg0: i32) -> (i32, i32) {
    %c0_i32 = arith.constant 0 : i32
    %c0_i32_0 = arith.constant 0 : i32
    %c0_i32_1 = arith.constant 0 : i32
    return %c0_i32, %c0_i32_0 : i32, i32
  }
  func.func @transform_4(%arg0: i32) -> (i32, i32) {
    %c0_i32 = arith.constant 0 : i32
    %c0_i32_0 = arith.constant 0 : i32
    %c0_i32_1 = arith.constant 0 : i32
    return %c0_i32, %c0_i32_0 : i32, i32
  }
  func.func @transform_5(%arg0: i32) -> (i32, i32) {
    %c0_i32 = arith.constant 0 : i32
    %c0_i32_0 = arith.constant 0 : i32
    %c0_i32_1 = arith.constant 0 : i32
    return %c0_i32, %c0_i32_0 : i32, i32
  }
  func.func @transform_6(%arg0: i32) -> (i32, i32) {
    %c0_i32 = arith.constant 0 : i32
    %c0_i32_0 = arith.constant 0 : i32
    %c0_i32_1 = arith.constant 0 : i32
    return %c0_i32, %c0_i32_0 : i32, i32
  }
  func.func @transform_7(%arg0: i32) -> (i32, i32) {
    %c0_i32 = arith.constant 0 : i32
    %c0_i32_0 = arith.constant 0 : i32
    %c0_i32_1 = arith.constant 0 : i32
    return %c0_i32, %c0_i32_0 : i32, i32
  }
  func.func @transform_8(%arg0: i32) -> (i32, i32) {
    %c0_i32 = arith.constant 0 : i32
    %c0_i32_0 = arith.constant 0 : i32
    %c0_i32_1 = arith.constant 0 : i32
    return %c0_i32, %c0_i32_0 : i32, i32
  }
  func.func @transform_9(%arg0: i32) -> (i32, i32) {
    %c0_i32 = arith.constant 0 : i32
    %c0_i32_0 = arith.constant 0 : i32
    %c0_i32_1 = arith.constant 0 : i32
    return %c0_i32, %c0_i32_0 : i32, i32
  }
  func.func @transform_10(%arg0: i32) -> (i32, i32) {
    %c0_i32 = arith.constant 0 : i32
    %c0_i32_0 = arith.constant 0 : i32
    %c0_i32_1 = arith.constant 0 : i32
    return %c0_i32, %c0_i32_0 : i32, i32
  }
  func.func @transform_11(%arg0: i32) -> (i32, i32) {
    %c0_i32 = arith.constant 0 : i32
    %c0_i32_0 = arith.constant 0 : i32
    %c0_i32_1 = arith.constant 0 : i32
    return %c0_i32, %c0_i32_0 : i32, i32
  }
  func.func @transform_12(%arg0: i32) -> (i32, i32) {
    %c0_i32 = arith.constant 0 : i32
    %c0_i32_0 = arith.constant 0 : i32
    %c0_i32_1 = arith.constant 0 : i32
    return %c0_i32, %c0_i32_0 : i32, i32
  }
  func.func @transform_13(%arg0: i32) -> (i32, i32) {
    %c0_i32 = arith.constant 0 : i32
    %c0_i32_0 = arith.constant 0 : i32
    return %arg0, %c0_i32 : i32, i32
  }
}

</mosaic_0001>

<sc_bundles>
// kernel: kernel.10.cloned.1.call-start
scs
__scs_entry_jumppad:
0x0: {  	(pc) =	sbr.rel $0x88, $3  }
0x1: {  	(tag) =	ssettag $0x0;
	lr =	simm.s32 $0x1  }
0x2: {  	[smem:$0x3F88] =	sst lr;
	_ =	strace $0xD0000000  }
0x3: {  	_ = 	snop  }
0x4: {  	_ = 	snop  }
0x5: {  	_ = 	snop  }
0x6: {  	_ = 	snop  }
0x7: {  	_ = 	snop  }
__scs_overlays_trampoline_lowered:
0x8: {  	[smem:$0x3F97] =	sst s0  }
0x9: {  	[smem:$0x3F98] =	sst s1  }
0xa: {  	[smem:$0x3F99] =	sst s2  }
0xb: {  	[smem:$0x3F9A] =	sst s3  }
0xc: {  	[smem:$0x3F9B] =	sst s4  }
0xd: {  	[smem:$0x3F9C] =	sst s5  }
0xe: {  	[smem:$0x3F9D] =	sst s6  }
0xf: {  	[smem:$0x3F9E] =	sst s7  }
0x10: {  	[smem:$0x3F9F] =	sst s8  }
0x11: {  	[smem:$0x3FA0] =	sst s9;
	s0 =	simm.s32 @!p0 $0x0  }
0x12: {  	s1 =	sld [smem:$0x3F86];
	s0 =	simm.s32 @p0 $0x1  }
0x13: {  	[smem:$0x3FA1] =	sst s0;
	s0 =	simm.s32 @!p1 $0x0  }
0x14: {  	s2 =	sld [smem:$0x3F85];
	s0 =	simm.s32 @p1 $0x1  }
0x15: {  	[smem:$0x3FA2] =	sst s0;
	s0 =	simm.s32 @!p2 $0x0  }
0x16: {  	s3 =	sld [smem:$0x3FDB];
	s0 =	simm.s32 @p2 $0x1  }
0x17: {  	s4 =	simm.s32 $0x1BF5;
	[smem:$0x3FA4] =	sst s0  }
0x18: {  	s0 =	sld [smem:$0x3F87];
	_ =	swait.ge [sflag:s4], $0x0  }
0x19: {  	s7 =	sld [smem:$0x3F88]  }
0x1a: {  	s8 =	sadd.s32 $0xFFFFE003, lr  }
0x1b: {  	s9 =	sadd.s32 $0xFFFFFEF7, lr;
	s5 =	simm.s32 $0xFFFFFFFF;
	p2 =	slt.u32 s8, $0xFFFFF086  }
0x1c: {  	p1 =	slt.u32 s9, $0xF7A;
	s5 =	simm.s32 @!p2 $0x0  }
0x1d: {  	s5 =	simm.s32 @p1 $0x1;
	p0 =	seq.s32 s7, s2  }
0x1e: {  	s7 =	smul.u32 @!p0 $0xF7A, s2;
	p2 =	seq.s32 @!p0 s5, $0x0  }
0x1f: {  	s9 =	smul.u32 $0xF7A, s1;
	s8 =	simm.s32 @!p0 $0x1BF5;
	p2 =	por !p2, p0  }
0x20: {  	[sflag:s8] =	ssyncset.s32 @!p0 $0xFFFFF086;
	s6 =	sadd.s32 @!p0 s3, s7;
	s7 =	simm.s32 @!p0 $0x108  }
0x21: {  	s3 =	sadd.s32 s3, s9;
	s6 =	sadd.s32 @!p0 $0x88, s6;
	s7 =	simm.s32 @p2 $0x1082  }
0x22: {  	[simem:s7], [sflag:s8] =	dma.local @!p0 [hbm:s6], $0xF7A  }
0x23: {  	s9 =	sor.u32 $0xD0000000, s2;
	s6 =	simm.s32 $0x108;
	_ =	swait.ge @!p0 [sflag:s8], $0x0  }
0x24: {  	s3 =	sadd.s32 $0x88, s3;
	s6 =	simm.s32 @!p1 $0x1082;
	[sflag:s4] =	ssyncset.s32 $0xFFFFF086  }
0x25: {  	[simem:s6], [sflag:s4] =	dma.local [hbm:s3], $0xF7A  }
0x26: {  	[smem:$0x3F88] =	sst s1;
	(tag) =	ssettag s2;
	_ =	strace s9  }
0x27: {  	s1 =	sld [smem:$0x3F98]  }
0x28: {  	s2 =	sld [smem:$0x3F99]  }
0x29: {  	s4 =	sld [smem:$0x3F9B]  }
0x2a: {  	p0 =	seq.s32 s5, $0x0;
	s5 =	sld [smem:$0x3F9C]  }
0x2b: {  	s6 =	sld [smem:$0x3F9D]  }
0x2c: {  	s7 =	sld [smem:$0x3F9E]  }
0x2d: {  	s3 =	simm.s32 $0x108;
	s8 =	sld [smem:$0x3F9F]  }
0x2e: {  	s3 =	simm.s32 @!p0 $0x1082;
	s9 =	sld [smem:$0x3FA0]  }
0x2f: {  	lr =	sadd.s32 s0, s3;
	s0 =	sld [smem:$0x3F97]  }
0x30: {  	s3 =	sld [smem:$0x3F9A]  }
0x31: {  	[smem:$0x3FA3] =	sst s10  }
0x32: {  	s10 =	sld [smem:$0x3FA1];
	_ =	sdelay $0x3  }
0x33: {  	p0 =	seq.s32 s10, $0x1;
	s10 =	sld [smem:$0x3FA3];
	_ =	sdelay $0x3  }
0x34: {  	[smem:$0x3FA3] =	sst s10  }
0x35: {  	s10 =	sld [smem:$0x3FA2];
	_ =	sdelay $0x3  }
0x36: {  	p1 =	seq.s32 s10, $0x1;
	s10 =	sld [smem:$0x3FA3];
	_ =	sdelay $0x3  }
0x37: {  	[smem:$0x3FA3] =	sst s10  }
0x38: {  	s10 =	sld [smem:$0x3FA4]  }
0x39: {  	_ = 	snop;
	(pc) =	sbr.ind lr, $3  }
0x3a: {  	_ = 	snop  }
0x3b: {  	_ = 	snop  }
0x3c: {  	p2 =	seq.s32 s10, $0x1;
	s10 =	sld [smem:$0x3FA3]  }
0x3d: {  	_ =	shalt  }
0x3e: {  	_ =	shalt  }
0x3f: {  	_ =	shalt  }
0x40: {  	_ =	shalt  }
0x41: {  	_ =	shalt  }
0x42: {  	_ =	shalt  }
0x43: {  	_ =	shalt  }
0x44: {  	_ =	shalt  }
0x45: {  	_ =	shalt  }
0x46: {  	_ =	shalt  }
0x47: {  	_ =	shalt  }
0x48: {  	_ =	shalt  }
0x49: {  	_ =	shalt  }
0x4a: {  	_ =	shalt  }
0x4b: {  	_ =	shalt  }
0x4c: {  	_ =	shalt  }
0x4d: {  	_ =	shalt  }
0x4e: {  	_ =	shalt  }
0x4f: {  	_ =	shalt  }
0x50: {  	_ =	shalt  }
0x51: {  	_ =	shalt  }
0x52: {  	_ =	shalt  }
0x53: {  	_ =	shalt  }
0x54: {  	_ =	shalt  }
0x55: {  	_ =	shalt  }
0x56: {  	_ =	shalt  }
0x57: {  	_ =	shalt  }
0x58: {  	_ =	shalt  }
0x59: {  	_ =	shalt  }
0x5a: {  	_ =	shalt  }
0x5b: {  	_ =	shalt  }
0x5c: {  	_ =	shalt  }
0x5d: {  	_ =	shalt  }
0x5e: {  	_ =	shalt  }
0x5f: {  	_ =	shalt  }
0x60: {  	_ =	shalt  }
0x61: {  	_ =	shalt  }
0x62: {  	_ =	shalt  }
0x63: {  	_ =	shalt  }
0x64: {  	_ =	shalt  }
0x65: {  	_ =	shalt  }
0x66: {  	_ =	shalt  }
0x67: {  	_ =	shalt  }
0x68: {  	_ =	shalt  }
0x69: {  	_ =	shalt  }
0x6a: {  	_ =	shalt  }
0x6b: {  	_ =	shalt  }
0x6c: {  	_ =	shalt  }
0x6d: {  	_ =	shalt  }
0x6e: {  	_ =	shalt  }
0x6f: {  	_ =	shalt  }
0x70: {  	_ =	shalt  }
0x71: {  	_ =	shalt  }
0x72: {  	_ =	shalt  }
0x73: {  	_ =	shalt  }
0x74: {  	_ =	shalt  }
0x75: {  	_ =	shalt  }
0x76: {  	_ =	shalt  }
0x77: {  	_ =	shalt  }
0x78: {  	_ =	shalt  }
0x79: {  	_ =	shalt  }
0x7a: {  	_ =	shalt  }
0x7b: {  	_ =	shalt  }
0x7c: {  	_ =	shalt  }
0x7d: {  	_ =	shalt  }
0x7e: {  	_ =	shalt  }
0x7f: {  	_ =	shalt  }
0x80: {  	_ =	shalt  }
0x81: {  	_ =	shalt  }
0x82: {  	_ =	shalt  }
0x83: {  	_ =	shalt  }
0x84: {  	_ =	shalt  }
0x85: {  	_ =	shalt  }
0x86: {  	_ =	shalt  }
0x87: {  	_ =	shalt  }
.Lfunc_end0:
.L_simem_size_0:
called_computation.1_lowered:
.L_overlay_start_0:
0x88: {  	s2 =	sld [smem:$0x3FD9]  }
0x89: {  	s3 =	sld [smem:$0x3FFE];
	_ =	sdelay $0x1  }
0x8a: {  	s1 =	srdreg.scid  }
0x8b: {  	s0 =	sand.u32 $0x1, s1  }
0x8c: {  	s17 =	sshll.u32 s0, $0xA;
	s2 =	sadd.s32 s3, s2  }
0x8d: {  	s2 =	sadd.s32 s2, s17  }
0x8e: {  	[smem:$0x3FAF] =	sst s2  }
0x8f: {  	_ = 	snop  }
0x90: {  	(tm) =	ssettm $0x1  }
0x91: {  	s18 =	sld [smem:$0x3FFB];
	_ =	sdelay $0x3  }
0x92: {  	_ =	strace s18  }
0x93: {  	s2 =	sld [smem:$0x3FFC];
	_ =	sdelay $0x3  }
0x94: {  	_ =	strace s2  }
0x95: {  	s2 =	sld [smem:$0x3FFD];
	_ =	sdelay $0x3  }
0x96: {  	_ =	strace s2  }
0x97: {  	_ =	strace $0x8FFFFFFF  }
0x98: {  	s19 =	sld [smem:$0x3FDB];
	_ =	sdelay $0x1  }
0x99: {  	s20 =	simm.s32 $_scs_section_size  }
0x9a: {  	s4 =	simm.s32 $_size__tile_overlayer_lowered;
	s5 =	simm.s32 $_tile_overlayer_lowered  }
0x9b: {  	s6 =	simm.s32 $0x1BFF;
	s21 =	sshll.u32 s5, $0x1;
	s3 =	sadd.s32 s20, s19  }
0x9c: {  	s22 =	simm.s32 $0x0;
	s4 =	sshll.u32 s4, $0x1;
	s5 =	sadd.s32 s21, s3  }
0x9d: {  	[timem:s22], [sflag:s6] =	dma.local [hbm:s5], s4  }
0x9e: {  	_ =	swait.ge [sflag:s6], s4  }
0x9f: {  	s4 =	ssub.s32 $0x0, s4;
	[sflag:s6] =	ssyncset.done $0x0  }
0xa0: {  	[sflag:s6] =	ssyncadd.s32 s4;
	_ =	sdelay $0x1  }
0xa1: {  	s23 =	simm.s32 $0x1B8B  }
0xa2: {  	_ =	swait.ge [sflag:s23], $0x1  }
0xa3: {  	[sflag:s23] =	ssyncset.done $0x0  }
0xa4: {  	[sflag:s23] =	ssyncadd.s32 $0xFFFFFFFF  }
0xa5: {  	s4 =	sld [smem:$0x0]  }
0xa6: {  	s5 =	sand.u32 $0xFFFFFFFE, s1  }
0xa7: {  	p0 =	sne.s32 s1, s5  }
0xa8: {  	s5 =	sshll.u32 @p0 s5, $0xE  }
0xa9: {  	s5 =	sadd.s32 @p0 $0x11B8D, s5;
	s6 =	sshll.u32 @p0 s4, $0x11  }
0xaa: {  	s5 =	sor.u32 @p0 s6, s5  }
0xab: {  	[sflag:s5] =	ssyncadd.remote.s32 @p0 $0x1;
	_ =	sdelay $0x1  }
0xac: {  	s5 =	simm.s32 @p0 $0x1B8D  }
0xad: {  	_ =	swait.eq @p0 [sflag:s5], $0x1  }
0xae: {  	[sflag:s5] =	ssyncadd.s32 @p0 $0xFFFFFFFF  }
0xaf: {  	s6 =	sshll.u32 @!p0 s1, $0xE  }
0xb0: {  	s6 =	sor.u32 @!p0 $0x4000, s6;
	s5 =	simm.s32 @!p0 $0x1B8D  }
0xb1: {  	s4 =	sshll.u32 @!p0 s4, $0x11;
	s6 =	sadd.s32 @!p0 $0x11B8D, s6;
	_ =	swait.eq @!p0 [sflag:s5], $0x1  }
0xb2: {  	s4 =	sor.u32 @!p0 s4, s6;
	[sflag:s5] =	ssyncadd.s32 @!p0 $0xFFFFFFFF  }
0xb3: {  	s25 =	simm.s32 $0x1B8E;
	s24 =	sld [smem:$0x3FFE];
	[sflag:s4] =	ssyncadd.remote.s32 @!p0 $0x1  }
0xb4: {  	s26 =	simm.s32 $execute0_lowered;
	[smem:$0x3FD2] =	sst s25  }
0xb5: {  	s5 =	sshll.u32 s26, $0x1;
	_ =	strace $0x8000004C;
	[dreg:$0x1] =	wrdreg $0xFFFFFFFF  }
0xb6: {  	s28 =	simm.s32 $_size_execute0_lowered;
	s3 =	sadd.s32 s3, s5;
	[dreg:$0x0] =	wrdreg $0x0  }
0xb7: {  	s5 =	sshll.u32 s28, $0x1;
	[dreg:$0x2] =	wrdreg s3  }
0xb8: {  	[dreg:$0x3] =	wrdreg s5  }
0xb9: {  	[dreg:$0x4] =	wrdreg $0xC0  }
0xba: {  	_ =	task [dreg:s22], $0x5FFFF  }
0xbb: {  	[dreg:$0x1] =	wrdreg $0xFFFFFFFF  }
0xbc: {  	[dreg:$0x0] =	wrdreg $0x60  }
0xbd: {  	[dreg:$0x2] =	wrdreg s24  }
0xbe: {  	[dreg:$0x3] =	wrdreg $0x50800  }
0xbf: {  	[dreg:$0x4] =	wrdreg $0x9  }
0xc0: {  	_ =	task.clear_ibuf [dreg:s22], $0x5FFFF;
	_ =	strace $0x9000004C  }
0xc1: {  	s29 =	simm.s32 $0x9;
	_ =	strace $0x8000004E  }
0xc2: {  	_ =	swait.ge [sflag:s29], $0x1  }
0xc3: {  	[sflag:s29] =	ssyncadd.s32 $0xFFFFFFFF  }
0xc4: {  	_ =	strace $0x9000004E  }
0xc5: {  	_ =	sfence  }
0xc6: {  	s30 =	sld [smem:$0x0];
	_ =	sdelay $0x2  }
0xc7: {  	s31 =	sshll.u32 s1, $0xD;
	s1 =	sshrl.u32 s1, $0x2  }
0xc8: {  	s4 =	sand.u32 $0x4000, s31;
	s1 =	sadd.s32 s1, s30  }
0xc9: {  	s0 =	sor.u32 s4, s0;
	s1 =	sshll.u32 s1, $0x11  }
0xca: {  	s0 =	sor.u32 s1, s0  }
0xcb: {  	s0 =	sadd.s32 $0x8F2B, s0  }
0xcc: {  	[sflag:s0] =	ssyncadd.remote.s32 $0x1  }
0xcd: {  	_ =	sfence.sel $0xFFFF  }
0xce: {  	[dreg:$0x0] =	wrdreg $0xFFFFFFFF;
	(pc) =	sbr.abs _section_cstart, $3  }
0xcf: {  	[dreg:$0x1] =	wrdreg $0xFFFFFFFF  }
0xd0: {  	_ =	task.clear_ibuf [dreg:s22], $0x2FFFF;
	_ =	strace $0x9FFFFFFF  }
0xd1: {  	(tm) =	ssettm $0x7FFFFFFF  }
tec
execute0_lowered:
.L_overlay_start_1:
0x0: {  	(tag) =	ssettag $0x1  }
0x1: {  	s0 =	rddreg [dreg:$0x0];
	s18 =	stileid.u32  }
0x2: {  	s2 =	rddreg [dreg:$0x1];
	s1 =	smul.u32 $0x4E200, s18  }
0x3: {  	s3 =	simm.s32 $0x0;
	s25 =	srdreg.scid;
	s4 =	smul.u32 $0x4E2, s18  }
0x4: {  	s29 =	simm.s32 $0x80;
	s6 =	sor.u32 $0x10, s18;
	s7 =	smul.u32 $0x5000, s18  }
0x5: {  	s30 =	simm.s32 $0x50;
	s9 =	sor.u32 $0x20, s18;
	s10 =	smul.u32 $0x5000, s6  }
0x6: {  	s31 =	simm.s32 $0x0;
	s11 =	sor.u32 $0x30, s18;
	s26 =	smul.u32 $0x5000, s9  }
0x7: {  	[smem:$0x7FF] =	sst s3;
	s13 =	sor.u32 $0x40, s18;
	s14 =	smul.u32 $0x5000, s11  }
0x8: {  	s15 =	sor.u32 $0x50, s18;
	s16 =	sor.u32 $0x70, s18;
	s17 =	smul.u32 $0x5000, s13  }
0x9: {  	_ =	strace $0x8000004D;
	s16 =	smin.u32 s16, $0x7C;
	s19 =	smul.u32 $0x5000, s15  }
0xa: {  	s9 =	smul.u32 $0xA000, s9;
	s22 =	sadd.s32 s1, s0;
	s23 =	sadd.s32 s4, s0  }
0xb: {  	s1 =	sand.u32 $0x1, s25;
	s4 =	smul.u32 $0xA000, s18;
	s18 =	sor.u32 $0x60, s18  }
0xc: {  	s5 =	ssub.s32 $0x2, s1;
	s12 =	sshll.u32 s1, $0xA;
	s1 =	sshll.u32 s1, $0x7  }
0xd: {  	s23 =	sadd.s32 $0x4C00, s23;
	s8 =	sshrl.u32 s5, $0x1;
	s20 =	sor.u32 s12, s7  }
0xe: {  	s21 =	sor.u32 s12, s10;
	s10 =	smul.u32 $0x5000, s18;
	s24 =	sor.u32 s12, s26  }
0xf: {  	s25 =	sor.u32 s12, s14;
	s14 =	smul.u32 $0x5000, s16;
	s17 =	sor.u32 s12, s17  }
0x10: {  	s19 =	sor.u32 s12, s19;
	s4 =	sshrl.u32 s4, $0x2;
	s8 =	ssub.s32 s5, s8  }
0x11: {  	s26 =	sor.u32 s12, s10;
	s28 =	sor.u32 s12, s14;
	s12 =	smul.u32 $0xA000, s6  }
0x12: {  	s5 =	sadd.s32 s4, s2;
	s10 =	sadd.s32 $0x9CE400, s0;
	s6 =	smul.u32 $0xA000, s13  }
0x13: {  	s14 =	smax.u32 s8, $0x1;
	s13 =	smul.u32 $0xA000, s18;
	[dreg:$0x3] =	wrdreg s10  }
0x14: {  	s0 =	sadd.s32 $0x9CEA00, s0;
	s10 =	smul.u32 $0xA000, s11;
	[dreg:$0x4] =	wrdreg s14  }
0x15: {  	s11 =	sshrl.u32 s9, $0x2;
	s7 =	sshrl.u32 s12, $0x2;
	s12 =	smul.u32 $0xA000, s15  }
0x16: {  	s8 =	sadd.s32 s11, s2;
	s14 =	sshrl.u32 s6, $0x2;
	s15 =	smul.u32 $0xA000, s16  }
0x17: {  	s6 =	sshrl.u32 s20, $0x3;
	s20 =	sshrl.u32 s17, $0x3;
	s7 =	sadd.s32 s7, s2  }
0x18: {  	s4 =	sshrl.u32 s10, $0x2;
	s10 =	sadd.s32 s14, s2;
	s14 =	sshrl.u32 s21, $0x3  }
0x19: {  	s21 =	sshrl.u32 s19, $0x3;
	s9 =	sadd.s32 s4, s2;
	s16 =	sshrl.u32 s12, $0x2  }
0x1a: {  	s12 =	sshrl.u32 s13, $0x2;
	s18 =	sshrl.u32 s15, $0x2;
	s4 =	sadd.s32 s0, s6  }
0x1b: {  	s15 =	sadd.s32 s0, s14;
	s19 =	sadd.s32 s0, s21;
	s11 =	sadd.s32 s16, s2  }
0x1c: {  	s12 =	sadd.s32 s12, s2;
	s13 =	sadd.s32 s18, s2;
	[dreg:$0x5] =	wrdreg s4  }
0x1d: {  	s16 =	sshrl.u32 s24, $0x3;
	s18 =	sshrl.u32 s25, $0x3;
	s24 =	sshrl.u32 s26, $0x3  }
0x1e: {  	s25 =	sshrl.u32 s28, $0x3;
	s26 =	sadd.s32 s1, s22;
	s28 =	simm.s32 $0x800  }
0x1f: {  	s16 =	sadd.s32 s0, s16;
	s17 =	sadd.s32 s0, s18;
	s18 =	sadd.s32 s0, s20  }
0x20: {  	s20 =	sadd.s32 s0, s24;
	s21 =	sadd.s32 s0, s25;
	s22 =	sadd.s32 $0x1120E00, s26  }
0x21: {  	s24 =	simm.s32 $0x2880;
	s25 =	simm.s32 $0x1;
	s26 =	simm.s32 $0x400  }
.LBB2_1:
0x22: {  	s0 =	rddreg [dreg:$0x3]  }
0x23: {  	[tilespmem:s24], [sflag:$0x1] =	stream.linear.gather [hbm4b:s0+s3], $0x2800, $0x38;
	[tilespmem:$0x18900] =	vst v63  }
0x24: {  	_ =	swait.ge [sflag:s25], $0x2800  }
0x25: {  	[sflag:s25] =	ssyncset.done $0x0  }
0x26: {  	[sflag:s25] =	ssyncadd.s32 $0xFFFFD800  }
0x27: {  	[spmem:s5] =	stream.linear.scatter [tilespmem:s24], [sflag:$0x1], $0x2800, $0x38;
	[tilespmem:$0x18900] =	vst v63  }
0x28: {  	_ =	swait.ge [sflag:s25], $0x2800  }
0x29: {  	[sflag:s25] =	ssyncset.done $0x0  }
0x2a: {  	[sflag:s25] =	ssyncadd.s32 $0xFFFFD800  }
0x2b: {  	[spmem:s7] =	stream.linear.scatter [tilespmem:s24], [sflag:$0x1], $0x2800, $0x38;
	[tilespmem:$0x18900] =	vst v63  }
0x2c: {  	_ =	swait.ge [sflag:s25], $0x2800  }
0x2d: {  	[sflag:s25] =	ssyncset.done $0x0  }
0x2e: {  	[sflag:s25] =	ssyncadd.s32 $0xFFFFD800  }
0x2f: {  	[spmem:s8] =	stream.linear.scatter [tilespmem:s24], [sflag:$0x1], $0x2800, $0x38;
	[tilespmem:$0x18900] =	vst v63  }
0x30: {  	_ =	swait.ge [sflag:s25], $0x2800  }
0x31: {  	[sflag:s25] =	ssyncset.done $0x0  }
0x32: {  	[sflag:s25] =	ssyncadd.s32 $0xFFFFD800  }
0x33: {  	[spmem:s9] =	stream.linear.scatter [tilespmem:s24], [sflag:$0x1], $0x2800, $0x38;
	[tilespmem:$0x18900] =	vst v63  }
0x34: {  	_ =	swait.ge [sflag:s25], $0x2800  }
0x35: {  	[sflag:s25] =	ssyncset.done $0x0  }
0x36: {  	[sflag:s25] =	ssyncadd.s32 $0xFFFFD800  }
0x37: {  	[spmem:s10] =	stream.linear.scatter [tilespmem:s24], [sflag:$0x1], $0x2800, $0x38;
	[tilespmem:$0x18900] =	vst v63  }
0x38: {  	_ =	swait.ge [sflag:s25], $0x2800  }
0x39: {  	[sflag:s25] =	ssyncset.done $0x0  }
0x3a: {  	[sflag:s25] =	ssyncadd.s32 $0xFFFFD800  }
0x3b: {  	[spmem:s11] =	stream.linear.scatter [tilespmem:s24], [sflag:$0x1], $0x2800, $0x38;
	[tilespmem:$0x18900] =	vst v63  }
0x3c: {  	_ =	swait.ge [sflag:s25], $0x2800  }
0x3d: {  	[sflag:s25] =	ssyncset.done $0x0  }
0x3e: {  	[sflag:s25] =	ssyncadd.s32 $0xFFFFD800  }
0x3f: {  	[spmem:s12] =	stream.linear.scatter [tilespmem:s24], [sflag:$0x1], $0x2800, $0x38;
	[tilespmem:$0x18900] =	vst v63  }
0x40: {  	_ =	swait.ge [sflag:s25], $0x2800  }
0x41: {  	[sflag:s25] =	ssyncset.done $0x0  }
0x42: {  	[sflag:s25] =	ssyncadd.s32 $0xFFFFD800  }
0x43: {  	[spmem:s13] =	stream.linear.scatter [tilespmem:s24], [sflag:$0x1], $0x2800, $0x38;
	[tilespmem:$0x18900] =	vst v63  }
0x44: {  	_ =	swait.ge [sflag:s25], $0x2800  }
0x45: {  	[sflag:s25] =	ssyncset.done $0x0  }
0x46: {  	[sflag:s25] =	ssyncadd.s32 $0xFFFFD800  }
0x47: {  	s14 =	sadd.s32 $0x0, s23;
	[bflag:$0x0] =	sbarrier.arrive $0xFFFF  }
0x48: {  	[tilespmem:s3], [sflag:$0x1] =	stream.linear.gather [hbm4b:s14+s3], $0x50, $0x38;
	[tilespmem:$0x18900] =	vst v63  }
0x49: {  	_ =	swait.ge [sflag:s25], $0x50  }
0x4a: {  	[sflag:s25] =	ssyncset.done $0x0  }
0x4b: {  	[sflag:s25] =	ssyncadd.s32 $0xFFFFFFB0  }
0x4c: {  	[tilespmem:s29], [sflag:$0x1] =	stream.strided.gather [hbm4b:s22+s26], $0x2800, s28, s26, $0x38;
	[tilespmem:$0x18900] =	vst v63  }
0x4d: {  	_ =	swait.ge [sflag:s25], $0x2800  }
0x4e: {  	[sflag:s25] =	ssyncset.done $0x0  }
0x4f: {  	[sflag:s25] =	ssyncadd.s32 $0xFFFFD800  }
0x50: {  	[spmem:s2] =	stream.indirect.scatter.add.f32 [tilespmem:s29], [sflag:$0x1], $0x80, s3, s30, $0xb8;
	[tilespmem:$0x18900] =	vst v63  }
0x51: {  	s1 =	simm.s32 $0xA;
	_ =	swait.ge [sflag:s25], $0x2800  }
0x52: {  	s4 =	simm.s32 $0x14;
	s0 =	sadd.s32 $0xA00, s22;
	[sflag:s25] =	ssyncset.done $0x0  }
.LBB2_2:
0x53: {  	s6 =	sadd.s32 s1, s23  }
0x54: {  	[sflag:s25] =	ssyncadd.s32 $0xFFFFD800;
	s1 =	smov.u32 s4;
	s14 =	sadd.s32 $0xA, s4  }
0x55: {  	[tilespmem:s3], [sflag:$0x1] =	stream.linear.gather [hbm4b:s6+s3], $0x50, $0x38;
	[tilespmem:$0x18900] =	vst v63  }
0x56: {  	p0 =	sne.s32 s4, $0x4D8;
	_ =	swait.ge [sflag:s25], $0x50  }
0x57: {  	[sflag:s25] =	ssyncset.done $0x0  }
0x58: {  	[sflag:s25] =	ssyncadd.s32 $0xFFFFFFB0  }
0x59: {  	[tilespmem:s29], [sflag:$0x1] =	stream.strided.gather [hbm4b:s0+s26], $0x2800, s28, s26, $0x38;
	[tilespmem:$0x18900] =	vst v63  }
0x5a: {  	_ =	swait.ge [sflag:s25], $0x2800  }
.Ltmp0:
0x5b: {  	[sflag:s25] =	ssyncset.done $0x0;
	(pc) =	sbr.rel @p0 .LBB2_2-.Ltmp0, $4  }
0x5c: {  	[sflag:s25] =	ssyncadd.s32 $0xFFFFD800  }
0x5d: {  	[spmem:s2] =	stream.indirect.scatter.add.f32 [tilespmem:s29], [sflag:$0x1], $0x80, s3, s30, $0xb8;
	[tilespmem:$0x18900] =	vst v63  }
0x5e: {  	_ =	swait.ge [sflag:s25], $0x2800  }
0x5f: {  	s4 =	smov.u32 s14;
	s0 =	sadd.s32 $0xA00, s0;
	[sflag:s25] =	ssyncset.done $0x0  }
0x60: {  	s1 =	sadd.s32 s1, s23;
	[sflag:s25] =	ssyncadd.s32 $0xFFFFD800  }
0x61: {  	[tilespmem:s3], [sflag:$0x1] =	stream.linear.gather [hbm4b:s1+s3], $0x50, $0x38;
	[tilespmem:$0x18900] =	vst v63  }
0x62: {  	_ =	swait.ge [sflag:s25], $0x50  }
0x63: {  	[sflag:s25] =	ssyncset.done $0x0  }
0x64: {  	[sflag:s25] =	ssyncadd.s32 $0xFFFFFFB0  }
0x65: {  	[tilespmem:s29], [sflag:$0x1] =	stream.strided.gather [hbm4b:s0+s26], $0x2800, s28, s26, $0x38;
	[tilespmem:$0x18900] =	vst v63  }
0x66: {  	_ =	swait.ge [sflag:s25], $0x2800  }
0x67: {  	[sflag:s25] =	ssyncset.done $0x0  }
0x68: {  	[sflag:s25] =	ssyncadd.s32 $0xFFFFD800  }
0x69: {  	[spmem:s2] =	stream.indirect.scatter.add.f32 [tilespmem:s29], [sflag:$0x1], $0x80, s3, s30, $0xb8;
	[tilespmem:$0x18900] =	vst v63  }
0x6a: {  	_ =	swait.ge [sflag:s25], $0x2800  }
0x6b: {  	[sflag:s25] =	ssyncset.done $0x0  }
0x6c: {  	[sflag:s25] =	ssyncadd.s32 $0xFFFFD800  }
0x6d: {  	[bflag:$0x0] =	sbarrier.arrive $0xFFFF  }
0x6e: {  	[tilespmem:s24], [sflag:$0x1] =	stream.linear.gather [spmem:s5], $0x2800, $0x38;
	[tilespmem:$0x18900] =	vst v63  }
0x6f: {  	_ =	swait.ge [sflag:s25], $0x2800  }
0x70: {  	[sflag:s25] =	ssyncset.done $0x0  }
0x71: {  	s6 =	rddreg [dreg:$0x5];
	[sflag:s25] =	ssyncadd.s32 $0xFFFFD800  }
0x72: {  	[hbm4b:s6+s26] =	stream.strided.scatter [tilespmem:s24], [sflag:$0x1], $0x2800, s28, s26, $0x38;
	[tilespmem:$0x18900] =	vst v63  }
0x73: {  	_ =	swait.ge [sflag:s25], $0x2800  }
0x74: {  	[sflag:s25] =	ssyncset.done $0x0  }
0x75: {  	[sflag:s25] =	ssyncadd.s32 $0xFFFFD800  }
0x76: {  	[tilespmem:s24], [sflag:$0x1] =	stream.linear.gather [spmem:s7], $0x2800, $0x38;
	[tilespmem:$0x18900] =	vst v63  }
0x77: {  	_ =	swait.ge [sflag:s25], $0x2800  }
0x78: {  	[sflag:s25] =	ssyncset.done $0x0  }
0x79: {  	[sflag:s25] =	ssyncadd.s32 $0xFFFFD800  }
0x7a: {  	[hbm4b:s15+s26] =	stream.strided.scatter [tilespmem:s24], [sflag:$0x1], $0x2800, s28, s26, $0x38;
	[tilespmem:$0x18900] =	vst v63  }
0x7b: {  	_ =	swait.ge [sflag:s25], $0x2800  }
0x7c: {  	[sflag:s25] =	ssyncset.done $0x0  }
0x7d: {  	[sflag:s25] =	ssyncadd.s32 $0xFFFFD800  }
0x7e: {  	[tilespmem:s24], [sflag:$0x1] =	stream.linear.gather [spmem:s8], $0x2800, $0x38;
	[tilespmem:$0x18900] =	vst v63  }
0x7f: {  	_ =	swait.ge [sflag:s25], $0x2800  }
0x80: {  	[sflag:s25] =	ssyncset.done $0x0  }
0x81: {  	[sflag:s25] =	ssyncadd.s32 $0xFFFFD800  }
0x82: {  	[hbm4b:s16+s26] =	stream.strided.scatter [tilespmem:s24], [sflag:$0x1], $0x2800, s28, s26, $0x38;
	[tilespmem:$0x18900] =	vst v63  }
0x83: {  	_ =	swait.ge [sflag:s25], $0x2800  }
0x84: {  	[sflag:s25] =	ssyncset.done $0x0  }
0x85: {  	[sflag:s25] =	ssyncadd.s32 $0xFFFFD800  }
0x86: {  	[tilespmem:s24], [sflag:$0x1] =	stream.linear.gather [spmem:s9], $0x2800, $0x38;
	[tilespmem:$0x18900] =	vst v63  }
0x87: {  	_ =	swait.ge [sflag:s25], $0x2800  }
0x88: {  	[sflag:s25] =	ssyncset.done $0x0  }
0x89: {  	[sflag:s25] =	ssyncadd.s32 $0xFFFFD800  }
0x8a: {  	[hbm4b:s17+s26] =	stream.strided.scatter [tilespmem:s24], [sflag:$0x1], $0x2800, s28, s26, $0x38;
	[tilespmem:$0x18900] =	vst v63  }
0x8b: {  	_ =	swait.ge [sflag:s25], $0x2800  }
0x8c: {  	[sflag:s25] =	ssyncset.done $0x0  }
0x8d: {  	[sflag:s25] =	ssyncadd.s32 $0xFFFFD800  }
0x8e: {  	[tilespmem:s24], [sflag:$0x1] =	stream.linear.gather [spmem:s10], $0x2800, $0x38;
	[tilespmem:$0x18900] =	vst v63  }
0x8f: {  	_ =	swait.ge [sflag:s25], $0x2800  }
0x90: {  	[sflag:s25] =	ssyncset.done $0x0  }
0x91: {  	[sflag:s25] =	ssyncadd.s32 $0xFFFFD800  }
0x92: {  	[hbm4b:s18+s26] =	stream.strided.scatter [tilespmem:s24], [sflag:$0x1], $0x2800, s28, s26, $0x38;
	[tilespmem:$0x18900] =	vst v63  }
0x93: {  	_ =	swait.ge [sflag:s25], $0x2800  }
0x94: {  	[sflag:s25] =	ssyncset.done $0x0  }
0x95: {  	[sflag:s25] =	ssyncadd.s32 $0xFFFFD800  }
0x96: {  	[tilespmem:s24], [sflag:$0x1] =	stream.linear.gather [spmem:s11], $0x2800, $0x38;
	[tilespmem:$0x18900] =	vst v63  }
0x97: {  	_ =	swait.ge [sflag:s25], $0x2800  }
0x98: {  	[sflag:s25] =	ssyncset.done $0x0  }
0x99: {  	[sflag:s25] =	ssyncadd.s32 $0xFFFFD800  }
0x9a: {  	[hbm4b:s19+s26] =	stream.strided.scatter [tilespmem:s24], [sflag:$0x1], $0x2800, s28, s26, $0x38;
	[tilespmem:$0x18900] =	vst v63  }
0x9b: {  	_ =	swait.ge [sflag:s25], $0x2800  }
0x9c: {  	[sflag:s25] =	ssyncset.done $0x0  }
0x9d: {  	[sflag:s25] =	ssyncadd.s32 $0xFFFFD800  }
0x9e: {  	[tilespmem:s24], [sflag:$0x1] =	stream.linear.gather [spmem:s12], $0x2800, $0x38;
	[tilespmem:$0x18900] =	vst v63  }
0x9f: {  	_ =	swait.ge [sflag:s25], $0x2800  }
0xa0: {  	[sflag:s25] =	ssyncset.done $0x0  }
0xa1: {  	[sflag:s25] =	ssyncadd.s32 $0xFFFFD800  }
0xa2: {  	[hbm4b:s20+s26] =	stream.strided.scatter [tilespmem:s24], [sflag:$0x1], $0x2800, s28, s26, $0x38;
	[tilespmem:$0x18900] =	vst v63  }
0xa3: {  	_ =	swait.ge [sflag:s25], $0x2800  }
0xa4: {  	[sflag:s25] =	ssyncset.done $0x0  }
0xa5: {  	[sflag:s25] =	ssyncadd.s32 $0xFFFFD800  }
0xa6: {  	[tilespmem:s24], [sflag:$0x1] =	stream.linear.gather [spmem:s13], $0x2800, $0x38;
	[tilespmem:$0x18900] =	vst v63  }
0xa7: {  	_ =	swait.ge [sflag:s25], $0x2800  }
0xa8: {  	[sflag:s25] =	ssyncset.done $0x0  }
0xa9: {  	[sflag:s25] =	ssyncadd.s32 $0xFFFFD800  }
0xaa: {  	[hbm4b:s21+s26] =	stream.strided.scatter [tilespmem:s24], [sflag:$0x1], $0x2800, s28, s26, $0x38;
	[tilespmem:$0x18900] =	vst v63  }
0xab: {  	_ =	swait.ge [sflag:s25], $0x2800  }
0xac: {  	s31 =	sadd.s32 $0x1, s31;
	s14 =	rddreg [dreg:$0x4]  }
0xad: {  	p0 =	sne.s32 s31, s14  }
.Ltmp1:
0xae: {  	_ = 	snop;
	(pc) =	sbr.rel @p0 .LBB2_1-.Ltmp1, $3  }
0xaf: {  	_ =	sdelay $0x1  }
0xb0: {  	[sflag:s25] =	ssyncset.done $0x0  }
0xb1: {  	[sflag:s25] =	ssyncadd.s32 $0xFFFFD800  }
0xb2: {  	_ =	sfence.sel $0x180000  }
0xb3: {  	[bflag:$0x0] =	sbarrier.arrive $0xFFFF  }
0xb4: {  	_ =	strace $0x9000004D  }
0xb5: {  	s0 =	stileid.u32;
	[bflag:$0x2] =	sbarrier.arrive $0xFFFF  }
0xb6: {  	p0 =	sne.s32 s0, $0x0;
	s0 =	rddreg [dreg:$0x2]  }
0xb7: {  	s0 =	sadd.s32 @!p0 $0x100000, s0  }
0xb8: {  	[sflag:s0] =	ssyncadd.tile.s32 @!p0 $0x1;
	_ =	shalt  }
.Lfunc_end2:
_tile_overlayer_lowered:
.L_overlay_start_2:
0xb9: {  	(tag) =	ssettag $0x2  }
0xba: {  	s0 =	rddreg [dreg:$0x0];
	s2 =	stileid.u32  }
0xbb: {  	s1 =	rddreg [dreg:$0x1];
	p0 =	sne.s32 s2, $0x0  }
0xbc: {  	s3 =	rddreg [dreg:$0x2];
	[bflag:$0x3] =	sbarrier.arrive $0xFFFF;
	s2 =	simm.s32 @!p0 $0x1C01  }
0xbd: {  	[timem:s3], [sflag:s2] =	dma.local @!p0 [hbm:s0], s1  }
0xbe: {  	s0 =	simm.s32 @!p0 $0x1  }
0xbf: {  	_ =	swait.ge @!p0 [sflag:s0], s1  }
0xc0: {  	s1 =	ssub.s32 @!p0 $0x0, s1;
	[sflag:s0] =	ssyncset.done @!p0 $0x0  }
0xc1: {  	[sflag:s0] =	ssyncadd.s32 @!p0 s1  }
0xc2: {  	[bflag:$0x3] =	sbarrier.arrive $0xFFFF  }
0xc3: {  	_ =	shalt  }

// kernel: kernel.13.cloned.1.call-start
scs
__scs_entry_jumppad:
0x0: {  	(pc) =	sbr.rel $0x88, $3  }
0x1: {  	(tag) =	ssettag $0x0;
	lr =	simm.s32 $0x1  }
0x2: {  	[smem:$0x3F88] =	sst lr;
	_ =	strace $0xD0000000  }
0x3: {  	_ = 	snop  }
0x4: {  	_ = 	snop  }
0x5: {  	_ = 	snop  }
0x6: {  	_ = 	snop  }
0x7: {  	_ = 	snop  }
__scs_overlays_trampoline_lowered:
0x8: {  	[smem:$0x3F97] =	sst s0  }
0x9: {  	[smem:$0x3F98] =	sst s1  }
0xa: {  	[smem:$0x3F99] =	sst s2  }
0xb: {  	[smem:$0x3F9A] =	sst s3  }
0xc: {  	[smem:$0x3F9B] =	sst s4  }
0xd: {  	[smem:$0x3F9C] =	sst s5  }
0xe: {  	[smem:$0x3F9D] =	sst s6  }
0xf: {  	[smem:$0x3F9E] =	sst s7  }
0x10: {  	[smem:$0x3F9F] =	sst s8  }
0x11: {  	[smem:$0x3FA0] =	sst s9;
	s0 =	simm.s32 @!p0 $0x0  }
0x12: {  	s1 =	sld [smem:$0x3F86];
	s0 =	simm.s32 @p0 $0x1  }
0x13: {  	[smem:$0x3FA1] =	sst s0;
	s0 =	simm.s32 @!p1 $0x0  }
0x14: {  	s2 =	sld [smem:$0x3F85];
	s0 =	simm.s32 @p1 $0x1  }
0x15: {  	[smem:$0x3FA2] =	sst s0;
	s0 =	simm.s32 @!p2 $0x0  }
0x16: {  	s3 =	sld [smem:$0x3FDB];
	s0 =	simm.s32 @p2 $0x1  }
0x17: {  	s4 =	simm.s32 $0x1BF5;
	[smem:$0x3FA4] =	sst s0  }
0x18: {  	s0 =	sld [smem:$0x3F87];
	_ =	swait.ge [sflag:s4], $0x0  }
0x19: {  	s7 =	sld [smem:$0x3F88]  }
0x1a: {  	s8 =	sadd.s32 $0xFFFFE003, lr  }
0x1b: {  	s9 =	sadd.s32 $0xFFFFFEF7, lr;
	s5 =	simm.s32 $0xFFFFFFFF;
	p2 =	slt.u32 s8, $0xFFFFF086  }
0x1c: {  	p1 =	slt.u32 s9, $0xF7A;
	s5 =	simm.s32 @!p2 $0x0  }
0x1d: {  	s5 =	simm.s32 @p1 $0x1;
	p0 =	seq.s32 s7, s2  }
0x1e: {  	s7 =	smul.u32 @!p0 $0xF7A, s2;
	p2 =	seq.s32 @!p0 s5, $0x0  }
0x1f: {  	s9 =	smul.u32 $0xF7A, s1;
	s8 =	simm.s32 @!p0 $0x1BF5;
	p2 =	por !p2, p0  }
0x20: {  	[sflag:s8] =	ssyncset.s32 @!p0 $0xFFFFF086;
	s6 =	sadd.s32 @!p0 s3, s7;
	s7 =	simm.s32 @!p0 $0x108  }
0x21: {  	s3 =	sadd.s32 s3, s9;
	s6 =	sadd.s32 @!p0 $0x88, s6;
	s7 =	simm.s32 @p2 $0x1082  }
0x22: {  	[simem:s7], [sflag:s8] =	dma.local @!p0 [hbm:s6], $0xF7A  }
0x23: {  	s9 =	sor.u32 $0xD0000000, s2;
	s6 =	simm.s32 $0x108;
	_ =	swait.ge @!p0 [sflag:s8], $0x0  }
0x24: {  	s3 =	sadd.s32 $0x88, s3;
	s6 =	simm.s32 @!p1 $0x1082;
	[sflag:s4] =	ssyncset.s32 $0xFFFFF086  }
0x25: {  	[simem:s6], [sflag:s4] =	dma.local [hbm:s3], $0xF7A  }
0x26: {  	[smem:$0x3F88] =	sst s1;
	(tag) =	ssettag s2;
	_ =	strace s9  }
0x27: {  	s1 =	sld [smem:$0x3F98]  }
0x28: {  	s2 =	sld [smem:$0x3F99]  }
0x29: {  	s4 =	sld [smem:$0x3F9B]  }
0x2a: {  	p0 =	seq.s32 s5, $0x0;
	s5 =	sld [smem:$0x3F9C]  }
0x2b: {  	s6 =	sld [smem:$0x3F9D]  }
0x2c: {  	s7 =	sld [smem:$0x3F9E]  }
0x2d: {  	s3 =	simm.s32 $0x108;
	s8 =	sld [smem:$0x3F9F]  }
0x2e: {  	s3 =	simm.s32 @!p0 $0x1082;
	s9 =	sld [smem:$0x3FA0]  }
0x2f: {  	lr =	sadd.s32 s0, s3;
	s0 =	sld [smem:$0x3F97]  }
0x30: {  	s3 =	sld [smem:$0x3F9A]  }
0x31: {  	[smem:$0x3FA3] =	sst s10  }
0x32: {  	s10 =	sld [smem:$0x3FA1];
	_ =	sdelay $0x3  }
0x33: {  	p0 =	seq.s32 s10, $0x1;
	s10 =	sld [smem:$0x3FA3];
	_ =	sdelay $0x3  }
0x34: {  	[smem:$0x3FA3] =	sst s10  }
0x35: {  	s10 =	sld [smem:$0x3FA2];
	_ =	sdelay $0x3  }
0x36: {  	p1 =	seq.s32 s10, $0x1;
	s10 =	sld [smem:$0x3FA3];
	_ =	sdelay $0x3  }
0x37: {  	[smem:$0x3FA3] =	sst s10  }
0x38: {  	s10 =	sld [smem:$0x3FA4]  }
0x39: {  	_ = 	snop;
	(pc) =	sbr.ind lr, $3  }
0x3a: {  	_ = 	snop  }
0x3b: {  	_ = 	snop  }
0x3c: {  	p2 =	seq.s32 s10, $0x1;
	s10 =	sld [smem:$0x3FA3]  }
0x3d: {  	_ =	shalt  }
0x3e: {  	_ =	shalt  }
0x3f: {  	_ =	shalt  }
0x40: {  	_ =	shalt  }
0x41: {  	_ =	shalt  }
0x42: {  	_ =	shalt  }
0x43: {  	_ =	shalt  }
0x44: {  	_ =	shalt  }
0x45: {  	_ =	shalt  }
0x46: {  	_ =	shalt  }
0x47: {  	_ =	shalt  }
0x48: {  	_ =	shalt  }
0x49: {  	_ =	shalt  }
0x4a: {  	_ =	shalt  }
0x4b: {  	_ =	shalt  }
0x4c: {  	_ =	shalt  }
0x4d: {  	_ =	shalt  }
0x4e: {  	_ =	shalt  }
0x4f: {  	_ =	shalt  }
0x50: {  	_ =	shalt  }
0x51: {  	_ =	shalt  }
0x52: {  	_ =	shalt  }
0x53: {  	_ =	shalt  }
0x54: {  	_ =	shalt  }
0x55: {  	_ =	shalt  }
0x56: {  	_ =	shalt  }
0x57: {  	_ =	shalt  }
0x58: {  	_ =	shalt  }
0x59: {  	_ =	shalt  }
0x5a: {  	_ =	shalt  }
0x5b: {  	_ =	shalt  }
0x5c: {  	_ =	shalt  }
0x5d: {  	_ =	shalt  }
0x5e: {  	_ =	shalt  }
0x5f: {  	_ =	shalt  }
0x60: {  	_ =	shalt  }
0x61: {  	_ =	shalt  }
0x62: {  	_ =	shalt  }
0x63: {  	_ =	shalt  }
0x64: {  	_ =	shalt  }
0x65: {  	_ =	shalt  }
0x66: {  	_ =	shalt  }
0x67: {  	_ =	shalt  }
0x68: {  	_ =	shalt  }
0x69: {  	_ =	shalt  }
0x6a: {  	_ =	shalt  }
0x6b: {  	_ =	shalt  }
0x6c: {  	_ =	shalt  }
0x6d: {  	_ =	shalt  }
0x6e: {  	_ =	shalt  }
0x6f: {  	_ =	shalt  }
0x70: {  	_ =	shalt  }
0x71: {  	_ =	shalt  }
0x72: {  	_ =	shalt  }
0x73: {  	_ =	shalt  }
0x74: {  	_ =	shalt  }
0x75: {  	_ =	shalt  }
0x76: {  	_ =	shalt  }
0x77: {  	_ =	shalt  }
0x78: {  	_ =	shalt  }
0x79: {  	_ =	shalt  }
0x7a: {  	_ =	shalt  }
0x7b: {  	_ =	shalt  }
0x7c: {  	_ =	shalt  }
0x7d: {  	_ =	shalt  }
0x7e: {  	_ =	shalt  }
0x7f: {  	_ =	shalt  }
0x80: {  	_ =	shalt  }
0x81: {  	_ =	shalt  }
0x82: {  	_ =	shalt  }
0x83: {  	_ =	shalt  }
0x84: {  	_ =	shalt  }
0x85: {  	_ =	shalt  }
0x86: {  	_ =	shalt  }
0x87: {  	_ =	shalt  }
.Lfunc_end0:
.L_simem_size_0:
called_computation.2_lowered:
.L_overlay_start_0:
0x88: {  	s2 =	sld [smem:$0x3FD9]  }
0x89: {  	s3 =	sld [smem:$0x3FFE];
	_ =	sdelay $0x1  }
0x8a: {  	s1 =	srdreg.scid  }
0x8b: {  	s0 =	sand.u32 $0x1, s1  }
0x8c: {  	s14 =	sshll.u32 s0, $0xA;
	s2 =	sadd.s32 s3, s2  }
0x8d: {  	s2 =	sadd.s32 s2, s14  }
0x8e: {  	[smem:$0x3FAF] =	sst s2  }
0x8f: {  	_ = 	snop  }
0x90: {  	s2 =	sld [smem:$0x3FD0];
	_ =	sdelay $0x2  }
0x91: {  	s15 =	simm.s32 $0xB;
	s4 =	simm.s32 $0x10  }
0x92: {  	[smem:s4], [sflag:s15] =	dma.local [hbm:s2], $0x1  }
0x93: {  	_ =	swait.eq [sflag:s15], $0x1  }
0x94: {  	[sflag:s15] =	ssyncset.done $0x0  }
0x95: {  	[sflag:s15] =	ssyncadd.s32 $0xFFFFFFFF  }
0x96: {  	s16 =	sld [smem:$0x10];
	(tm) =	ssettm $0x1  }
0x97: {  	s17 =	sld [smem:$0x3FFB];
	_ =	sdelay $0x3  }
0x98: {  	_ =	strace s17  }
0x99: {  	s3 =	sld [smem:$0x3FFC];
	_ =	sdelay $0x3  }
0x9a: {  	_ =	strace s3  }
0x9b: {  	s3 =	sld [smem:$0x3FFD];
	_ =	sdelay $0x3  }
0x9c: {  	_ =	strace s3  }
0x9d: {  	_ =	strace $0x8FFFFFFF  }
0x9e: {  	s18 =	sld [smem:$0x3FDB];
	_ =	sdelay $0x1  }
0x9f: {  	s19 =	simm.s32 $_scs_section_size  }
0xa0: {  	s5 =	simm.s32 $_size__tile_overlayer_lowered;
	s6 =	simm.s32 $_tile_overlayer_lowered  }
0xa1: {  	s22 =	simm.s32 $0x1BFF;
	s21 =	sshll.u32 s6, $0x1;
	s3 =	sadd.s32 s19, s18  }
0xa2: {  	s7 =	simm.s32 $0x0;
	s20 =	sshll.u32 s5, $0x1;
	s5 =	sadd.s32 s21, s3  }
0xa3: {  	[timem:s7], [sflag:s22] =	dma.local [hbm:s5], s20  }
0xa4: {  	_ =	swait.ge [sflag:s22], s20  }
0xa5: {  	s4 =	ssub.s32 $0x0, s20;
	[sflag:s22] =	ssyncset.done $0x0  }
0xa6: {  	[sflag:s22] =	ssyncadd.s32 s4;
	_ =	sdelay $0x1  }
0xa7: {  	s23 =	simm.s32 $0x1B8B  }
0xa8: {  	_ =	swait.ge [sflag:s23], $0x1  }
0xa9: {  	[sflag:s23] =	ssyncset.done $0x0  }
0xaa: {  	s25 =	simm.s32 $0x1B8E;
	s24 =	sld [smem:$0x3FFE];
	[sflag:s23] =	ssyncadd.s32 $0xFFFFFFFF  }
0xab: {  	s26 =	simm.s32 $execute0_lowered;
	[smem:$0x3FD2] =	sst s25  }
0xac: {  	s5 =	sshll.u32 s26, $0x1;
	_ =	strace $0x80000049;
	[dreg:$0x1] =	wrdreg $0xFFFFFFFF  }
0xad: {  	s28 =	simm.s32 $_size_execute0_lowered;
	s3 =	sadd.s32 s3, s5;
	[dreg:$0x0] =	wrdreg $0x0  }
0xae: {  	s5 =	sshll.u32 s28, $0x1;
	[dreg:$0x2] =	wrdreg s3  }
0xaf: {  	[dreg:$0x3] =	wrdreg s5  }
0xb0: {  	[dreg:$0x4] =	wrdreg $0xC0  }
0xb1: {  	_ =	task [dreg:s7], $0x5FFFF  }
0xb2: {  	[dreg:$0x1] =	wrdreg $0xFFFFFFFF  }
0xb3: {  	[dreg:$0x0] =	wrdreg $0x60  }
0xb4: {  	[dreg:$0x2] =	wrdreg s24  }
0xb5: {  	[dreg:$0x3] =	wrdreg s16  }
0xb6: {  	[dreg:$0x4] =	wrdreg $0x50800  }
0xb7: {  	[dreg:$0x5] =	wrdreg $0xA  }
0xb8: {  	_ =	task.clear_ibuf [dreg:s7], $0x6FFFF;
	_ =	strace $0x90000049  }
0xb9: {  	s29 =	simm.s32 $0xA;
	_ =	strace $0x8000004B  }
0xba: {  	_ =	swait.ge [sflag:s29], $0x1  }
0xbb: {  	[sflag:s29] =	ssyncadd.s32 $0xFFFFFFFF  }
0xbc: {  	_ =	strace $0x9000004B  }
0xbd: {  	_ =	sfence  }
0xbe: {  	s30 =	sld [smem:$0x0];
	_ =	sdelay $0x2  }
0xbf: {  	s31 =	sshll.u32 s1, $0xD;
	s1 =	sshrl.u32 s1, $0x2  }
0xc0: {  	s3 =	sand.u32 $0x4000, s31;
	s1 =	sadd.s32 s1, s30  }
0xc1: {  	s0 =	sor.u32 s3, s0;
	s1 =	sshll.u32 s1, $0x11  }
0xc2: {  	s0 =	sor.u32 s1, s0  }
0xc3: {  	s0 =	sadd.s32 $0x8F2B, s0  }
0xc4: {  	[sflag:s0] =	ssyncadd.remote.s32 $0x1  }
0xc5: {  	_ =	sfence.sel $0xFFFF  }
0xc6: {  	[dreg:$0x0] =	wrdreg $0xFFFFFFFF;
	(pc) =	sbr.abs _section_cstart, $3  }
0xc7: {  	[dreg:$0x1] =	wrdreg $0xFFFFFFFF  }
0xc8: {  	_ =	task.clear_ibuf [dreg:s7], $0x2FFFF;
	_ =	strace $0x9FFFFFFF  }
0xc9: {  	(tm) =	ssettm $0x7FFFFFFF  }
tec
execute0_lowered:
.L_overlay_start_1:
0x0: {  	(tag) =	ssettag $0x1  }
0x1: {  	s1 =	stileid.u32  }
0x2: {  	s4 =	smul.u32 $0x27100, s1  }
0x3: {  	s5 =	smul.u32 $0x4E2, s1  }
0x4: {  	s30 =	smul.u32 $0xA000, s1  }
0x5: {  	s0 =	rddreg [dreg:$0x0];
	s10 =	sor.u32 $0x10, s1;
	s25 =	smul.u32 $0x500, s1  }
0x6: {  	s21 =	rddreg [dreg:$0x1];
	s11 =	sor.u32 $0x20, s1;
	s8 =	smul.u32 $0xA000, s10  }
0x7: {  	s2 =	rddreg [dreg:$0x2];
	s12 =	sor.u32 $0x30, s1;
	s9 =	smul.u32 $0xA000, s11  }
0x8: {  	s3 =	simm.s32 $0x0;
	s14 =	sor.u32 $0x40, s1;
	s13 =	smul.u32 $0xA000, s12  }
0x9: {  	s6 =	srdreg.scid;
	s16 =	sor.u32 $0x50, s1;
	s15 =	smul.u32 $0xA000, s14  }
0xa: {  	s29 =	simm.s32 $0x0;
	s18 =	sor.u32 $0x60, s1;
	s17 =	smul.u32 $0xA000, s16  }
0xb: {  	[smem:$0x7FF] =	sst s3;
	s31 =	sor.u32 $0x70, s1;
	s19 =	smul.u32 $0xA000, s18  }
0xc: {  	_ =	strace $0x8000004A;
	s20 =	smin.u32 s31, $0x7C;
	s31 =	smul.u32 $0x500, s11  }
0xd: {  	s28 =	smul.u32 $0x500, s12;
	s22 =	sadd.s32 s4, s0;
	s23 =	sadd.s32 s5, s0  }
0xe: {  	s4 =	sadd.s32 $0x9CDE00, s0;
	s0 =	sand.u32 $0x1, s6;
	s6 =	sshrl.u32 s30, $0x2  }
0xf: {  	s24 =	smul.u32 $0xA000, s20;
	s1 =	sadd.s32 s21, s25;
	s25 =	simm.s32 $0x1  }
0x10: {  	s26 =	ssub.s32 $0x2, s0;
	s8 =	sshrl.u32 s8, $0x2;
	s6 =	sadd.s32 s6, s2  }
0x11: {  	s9 =	sshrl.u32 s9, $0x2;
	s13 =	sshrl.u32 s13, $0x2;
	s15 =	sshrl.u32 s15, $0x2  }
0x12: {  	s30 =	sshrl.u32 s17, $0x2;
	[dreg:$0x4] =	wrdreg s1;
	s17 =	sadd.s32 s21, s28  }
0x13: {  	s22 =	sadd.s32 $0xEAFE00, s22;
	s23 =	sadd.s32 $0x4C00, s23;
	p0 =	sne.s32 s0, $0x0  }
0x14: {  	s7 =	sshrl.u32 s26, $0x1;
	s11 =	sadd.s32 s30, s2;
	s30 =	smul.u32 $0x500, s18  }
0x15: {  	s5 =	ssub.s32 s26, s7;
	s26 =	smul.u32 $0x500, s10;
	s10 =	sadd.s32 s15, s2  }
0x16: {  	s15 =	sshrl.u32 s19, $0x2;
	s19 =	sshrl.u32 s24, $0x2;
	s24 =	smul.u32 $0x500, s14  }
0x17: {  	s28 =	simm.s32 $0x50;
	s7 =	sadd.s32 s8, s2;
	s14 =	smul.u32 $0x500, s16  }
.Ltmp0:
0x18: {  	s8 =	sadd.s32 s9, s2;
	s9 =	sadd.s32 s13, s2;
	(pc) =	sbr.rel .LBB2_1-.Ltmp0, $4  }
0x19: {  	s16 =	sadd.s32 s21, s31;
	s31 =	smul.u32 $0x500, s20;
	s5 =	smax.u32 s5, $0x1  }
0x1a: {  	s12 =	sadd.s32 s15, s2;
	s13 =	sadd.s32 s19, s2;
	s20 =	sadd.s32 s21, s30  }
0x1b: {  	s15 =	sadd.s32 s21, s26;
	s18 =	sadd.s32 s21, s24;
	s19 =	sadd.s32 s21, s14  }
0x1c: {  	s21 =	sadd.s32 s21, s31;
	s24 =	simm.s32 $0x2880;
	s26 =	simm.s32 $0x80  }
.LBB2_5:
0x1d: {  	s29 =	sadd.s32 $0x1, s29  }
0x1e: {  	p1 =	sne.s32 s29, s5  }
.Ltmp1:
0x1f: {  	_ = 	snop;
	(pc) =	sbr.rel @!p1 .LBB2_6-.Ltmp1, $1  }
0x20: {  	_ =	sdelay $0x3  }
.LBB2_1:
0x21: {  	[tilespmem:s24], [sflag:$0x1] =	stream.linear.gather [hbm4b:s4+s3], $0x2800, $0x38;
	[tilespmem:$0x7790] =	vst v63  }
0x22: {  	_ =	swait.ge [sflag:s25], $0x2800  }
0x23: {  	[sflag:s25] =	ssyncset.done $0x0  }
0x24: {  	[sflag:s25] =	ssyncadd.s32 $0xFFFFD800  }
0x25: {  	[spmem:s6] =	stream.linear.scatter [tilespmem:s24], [sflag:$0x1], $0x2800, $0x38;
	[tilespmem:$0x7790] =	vst v63  }
0x26: {  	_ =	swait.ge [sflag:s25], $0x2800  }
0x27: {  	[sflag:s25] =	ssyncset.done $0x0  }
0x28: {  	[sflag:s25] =	ssyncadd.s32 $0xFFFFD800  }
0x29: {  	[spmem:s7] =	stream.linear.scatter [tilespmem:s24], [sflag:$0x1], $0x2800, $0x38;
	[tilespmem:$0x7790] =	vst v63  }
0x2a: {  	_ =	swait.ge [sflag:s25], $0x2800  }
0x2b: {  	[sflag:s25] =	ssyncset.done $0x0  }
0x2c: {  	[sflag:s25] =	ssyncadd.s32 $0xFFFFD800  }
0x2d: {  	[spmem:s8] =	stream.linear.scatter [tilespmem:s24], [sflag:$0x1], $0x2800, $0x38;
	[tilespmem:$0x7790] =	vst v63  }
0x2e: {  	_ =	swait.ge [sflag:s25], $0x2800  }
0x2f: {  	[sflag:s25] =	ssyncset.done $0x0  }
0x30: {  	[sflag:s25] =	ssyncadd.s32 $0xFFFFD800  }
0x31: {  	[spmem:s9] =	stream.linear.scatter [tilespmem:s24], [sflag:$0x1], $0x2800, $0x38;
	[tilespmem:$0x7790] =	vst v63  }
0x32: {  	_ =	swait.ge [sflag:s25], $0x2800  }
0x33: {  	[sflag:s25] =	ssyncset.done $0x0  }
0x34: {  	[sflag:s25] =	ssyncadd.s32 $0xFFFFD800  }
0x35: {  	[spmem:s10] =	stream.linear.scatter [tilespmem:s24], [sflag:$0x1], $0x2800, $0x38;
	[tilespmem:$0x7790] =	vst v63  }
0x36: {  	_ =	swait.ge [sflag:s25], $0x2800  }
0x37: {  	[sflag:s25] =	ssyncset.done $0x0  }
0x38: {  	[sflag:s25] =	ssyncadd.s32 $0xFFFFD800  }
0x39: {  	[spmem:s11] =	stream.linear.scatter [tilespmem:s24], [sflag:$0x1], $0x2800, $0x38;
	[tilespmem:$0x7790] =	vst v63  }
0x3a: {  	_ =	swait.ge [sflag:s25], $0x2800  }
0x3b: {  	[sflag:s25] =	ssyncset.done $0x0  }
0x3c: {  	[sflag:s25] =	ssyncadd.s32 $0xFFFFD800  }
0x3d: {  	[spmem:s12] =	stream.linear.scatter [tilespmem:s24], [sflag:$0x1], $0x2800, $0x38;
	[tilespmem:$0x7790] =	vst v63  }
0x3e: {  	_ =	swait.ge [sflag:s25], $0x2800  }
0x3f: {  	[sflag:s25] =	ssyncset.done $0x0  }
0x40: {  	[sflag:s25] =	ssyncadd.s32 $0xFFFFD800  }
0x41: {  	[spmem:s13] =	stream.linear.scatter [tilespmem:s24], [sflag:$0x1], $0x2800, $0x38;
	[tilespmem:$0x7790] =	vst v63  }
0x42: {  	_ =	swait.ge [sflag:s25], $0x2800  }
0x43: {  	[sflag:s25] =	ssyncset.done $0x0  }
0x44: {  	[sflag:s25] =	ssyncadd.s32 $0xFFFFD800  }
0x45: {  	s0 =	sadd.s32 $0x0, s23;
	[bflag:$0x0] =	sbarrier.arrive $0xFFFF  }
0x46: {  	[tilespmem:s3], [sflag:$0x1] =	stream.linear.gather [hbm4b:s0+s3], $0x50, $0x38;
	[tilespmem:$0x7790] =	vst v63  }
0x47: {  	_ =	swait.ge [sflag:s25], $0x50  }
0x48: {  	[sflag:s25] =	ssyncset.done $0x0  }
0x49: {  	[sflag:s25] =	ssyncadd.s32 $0xFFFFFFB0  }
0x4a: {  	[tilespmem:s26], [sflag:$0x1] =	stream.linear.gather [hbm4b:s22+s3], $0x2800, $0x38;
	[tilespmem:$0x7790] =	vst v63  }
0x4b: {  	_ =	swait.ge [sflag:s25], $0x2800  }
0x4c: {  	[sflag:s25] =	ssyncset.done $0x0  }
0x4d: {  	[sflag:s25] =	ssyncadd.s32 $0xFFFFD800  }
0x4e: {  	[spmem:s2] =	stream.indirect.scatter.add.f32 [tilespmem:s26], [sflag:$0x1], $0x10, s3, s28, $0xb8;
	[tilespmem:$0x7790] =	vst v63  }
0x4f: {  	s31 =	simm.s32 $0xA;
	_ =	swait.ge [sflag:s25], $0x500  }
0x50: {  	s30 =	sadd.s32 $0x500, s22;
	s0 =	simm.s32 $0x14;
	[sflag:s25] =	ssyncset.done $0x0  }
.LBB2_2:
0x51: {  	s1 =	sadd.s32 s31, s23  }
0x52: {  	[sflag:s25] =	ssyncadd.s32 $0xFFFFFB00;
	s31 =	smov.u32 s0;
	s14 =	sadd.s32 $0xA, s0  }
0x53: {  	[tilespmem:s3], [sflag:$0x1] =	stream.linear.gather [hbm4b:s1+s3], $0x50, $0x38;
	[tilespmem:$0x7790] =	vst v63  }
0x54: {  	p1 =	sne.s32 s0, $0x4D8;
	_ =	swait.ge [sflag:s25], $0x50  }
0x55: {  	[sflag:s25] =	ssyncset.done $0x0  }
0x56: {  	[sflag:s25] =	ssyncadd.s32 $0xFFFFFFB0  }
0x57: {  	[tilespmem:s26], [sflag:$0x1] =	stream.linear.gather [hbm4b:s30+s3], $0x2800, $0x38;
	[tilespmem:$0x7790] =	vst v63  }
0x58: {  	_ =	swait.ge [sflag:s25], $0x2800  }
.Ltmp2:
0x59: {  	[sflag:s25] =	ssyncset.done $0x0;
	(pc) =	sbr.rel @p1 .LBB2_2-.Ltmp2, $4  }
0x5a: {  	[sflag:s25] =	ssyncadd.s32 $0xFFFFD800  }
0x5b: {  	[spmem:s2] =	stream.indirect.scatter.add.f32 [tilespmem:s26], [sflag:$0x1], $0x10, s3, s28, $0xb8;
	[tilespmem:$0x7790] =	vst v63  }
0x5c: {  	_ =	swait.ge [sflag:s25], $0x500  }
0x5d: {  	s0 =	smov.u32 s14;
	s30 =	sadd.s32 $0x500, s30;
	[sflag:s25] =	ssyncset.done $0x0  }
0x5e: {  	s0 =	sadd.s32 s31, s23;
	[sflag:s25] =	ssyncadd.s32 $0xFFFFFB00  }
0x5f: {  	[tilespmem:s3], [sflag:$0x1] =	stream.linear.gather [hbm4b:s0+s3], $0x50, $0x38;
	[tilespmem:$0x7790] =	vst v63  }
0x60: {  	_ =	swait.ge [sflag:s25], $0x50  }
0x61: {  	[sflag:s25] =	ssyncset.done $0x0  }
0x62: {  	[sflag:s25] =	ssyncadd.s32 $0xFFFFFFB0  }
0x63: {  	[tilespmem:s26], [sflag:$0x1] =	stream.linear.gather [hbm4b:s30+s3], $0x2800, $0x38;
	[tilespmem:$0x7790] =	vst v63  }
0x64: {  	_ =	swait.ge [sflag:s25], $0x2800  }
0x65: {  	[sflag:s25] =	ssyncset.done $0x0  }
0x66: {  	[sflag:s25] =	ssyncadd.s32 $0xFFFFD800  }
0x67: {  	[spmem:s2] =	stream.indirect.scatter.add.f32 [tilespmem:s26], [sflag:$0x1], $0x10, s3, s28, $0xb8;
	[tilespmem:$0x7790] =	vst v63  }
.Ltmp3:
0x68: {  	_ =	swait.ge [sflag:s25], $0x500;
	(pc) =	sbr.rel @p0 .LBB2_5-.Ltmp3, $3  }
0x69: {  	[sflag:s25] =	ssyncset.done $0x0  }
0x6a: {  	[sflag:s25] =	ssyncadd.s32 $0xFFFFFB00  }
0x6b: {  	[bflag:$0x0] =	sbarrier.arrive $0xFFFF;
	_ =	sdelay $0x1  }
0x6c: {  	[tilespmem:s24], [sflag:$0x1] =	stream.linear.gather [spmem:s6], $0x2800, $0x38;
	[tilespmem:$0x7790] =	vst v63  }
0x6d: {  	_ =	swait.ge [sflag:s25], $0x2800  }
0x6e: {  	[sflag:s25] =	ssyncset.done $0x0  }
0x6f: {  	s0 =	rddreg [dreg:$0x4];
	[sflag:s25] =	ssyncadd.s32 $0xFFFFD800  }
0x70: {  	[hbm4b:s0+s3] =	stream.linear.scatter [tilespmem:s24], [sflag:$0x1], $0x2800, $0x38;
	[tilespmem:$0x7790] =	vst v63  }
0x71: {  	_ =	swait.ge [sflag:s25], $0x2800  }
0x72: {  	[sflag:s25] =	ssyncset.done $0x0  }
0x73: {  	[sflag:s25] =	ssyncadd.s32 $0xFFFFD800  }
0x74: {  	[tilespmem:s24], [sflag:$0x1] =	stream.linear.gather [spmem:s7], $0x2800, $0x38;
	[tilespmem:$0x7790] =	vst v63  }
0x75: {  	_ =	swait.ge [sflag:s25], $0x2800  }
0x76: {  	[sflag:s25] =	ssyncset.done $0x0  }
0x77: {  	[sflag:s25] =	ssyncadd.s32 $0xFFFFD800  }
0x78: {  	[hbm4b:s15+s3] =	stream.linear.scatter [tilespmem:s24], [sflag:$0x1], $0x2800, $0x38;
	[tilespmem:$0x7790] =	vst v63  }
0x79: {  	_ =	swait.ge [sflag:s25], $0x2800  }
0x7a: {  	[sflag:s25] =	ssyncset.done $0x0  }
0x7b: {  	[sflag:s25] =	ssyncadd.s32 $0xFFFFD800  }
0x7c: {  	[tilespmem:s24], [sflag:$0x1] =	stream.linear.gather [spmem:s8], $0x2800, $0x38;
	[tilespmem:$0x7790] =	vst v63  }
0x7d: {  	_ =	swait.ge [sflag:s25], $0x2800  }
0x7e: {  	[sflag:s25] =	ssyncset.done $0x0  }
0x7f: {  	[sflag:s25] =	ssyncadd.s32 $0xFFFFD800  }
0x80: {  	[hbm4b:s16+s3] =	stream.linear.scatter [tilespmem:s24], [sflag:$0x1], $0x2800, $0x38;
	[tilespmem:$0x7790] =	vst v63  }
0x81: {  	_ =	swait.ge [sflag:s25], $0x2800  }
0x82: {  	[sflag:s25] =	ssyncset.done $0x0  }
0x83: {  	[sflag:s25] =	ssyncadd.s32 $0xFFFFD800  }
0x84: {  	[tilespmem:s24], [sflag:$0x1] =	stream.linear.gather [spmem:s9], $0x2800, $0x38;
	[tilespmem:$0x7790] =	vst v63  }
0x85: {  	_ =	swait.ge [sflag:s25], $0x2800  }
0x86: {  	[sflag:s25] =	ssyncset.done $0x0  }
0x87: {  	[sflag:s25] =	ssyncadd.s32 $0xFFFFD800  }
0x88: {  	[hbm4b:s17+s3] =	stream.linear.scatter [tilespmem:s24], [sflag:$0x1], $0x2800, $0x38;
	[tilespmem:$0x7790] =	vst v63  }
0x89: {  	_ =	swait.ge [sflag:s25], $0x2800  }
0x8a: {  	[sflag:s25] =	ssyncset.done $0x0  }
0x8b: {  	[sflag:s25] =	ssyncadd.s32 $0xFFFFD800  }
0x8c: {  	[tilespmem:s24], [sflag:$0x1] =	stream.linear.gather [spmem:s10], $0x2800, $0x38;
	[tilespmem:$0x7790] =	vst v63  }
0x8d: {  	_ =	swait.ge [sflag:s25], $0x2800  }
0x8e: {  	[sflag:s25] =	ssyncset.done $0x0  }
0x8f: {  	[sflag:s25] =	ssyncadd.s32 $0xFFFFD800  }
0x90: {  	[hbm4b:s18+s3] =	stream.linear.scatter [tilespmem:s24], [sflag:$0x1], $0x2800, $0x38;
	[tilespmem:$0x7790] =	vst v63  }
0x91: {  	_ =	swait.ge [sflag:s25], $0x2800  }
0x92: {  	[sflag:s25] =	ssyncset.done $0x0  }
0x93: {  	[sflag:s25] =	ssyncadd.s32 $0xFFFFD800  }
0x94: {  	[tilespmem:s24], [sflag:$0x1] =	stream.linear.gather [spmem:s11], $0x2800, $0x38;
	[tilespmem:$0x7790] =	vst v63  }
0x95: {  	_ =	swait.ge [sflag:s25], $0x2800  }
0x96: {  	[sflag:s25] =	ssyncset.done $0x0  }
0x97: {  	[sflag:s25] =	ssyncadd.s32 $0xFFFFD800  }
0x98: {  	[hbm4b:s19+s3] =	stream.linear.scatter [tilespmem:s24], [sflag:$0x1], $0x2800, $0x38;
	[tilespmem:$0x7790] =	vst v63  }
0x99: {  	_ =	swait.ge [sflag:s25], $0x2800  }
0x9a: {  	[sflag:s25] =	ssyncset.done $0x0  }
0x9b: {  	[sflag:s25] =	ssyncadd.s32 $0xFFFFD800  }
0x9c: {  	[tilespmem:s24], [sflag:$0x1] =	stream.linear.gather [spmem:s12], $0x2800, $0x38;
	[tilespmem:$0x7790] =	vst v63  }
0x9d: {  	_ =	swait.ge [sflag:s25], $0x2800  }
0x9e: {  	[sflag:s25] =	ssyncset.done $0x0  }
0x9f: {  	[sflag:s25] =	ssyncadd.s32 $0xFFFFD800  }
0xa0: {  	[hbm4b:s20+s3] =	stream.linear.scatter [tilespmem:s24], [sflag:$0x1], $0x2800, $0x38;
	[tilespmem:$0x7790] =	vst v63  }
0xa1: {  	_ =	swait.ge [sflag:s25], $0x2800  }
0xa2: {  	[sflag:s25] =	ssyncset.done $0x0  }
0xa3: {  	[sflag:s25] =	ssyncadd.s32 $0xFFFFD800  }
0xa4: {  	[tilespmem:s24], [sflag:$0x1] =	stream.linear.gather [spmem:s13], $0x2800, $0x38;
	[tilespmem:$0x7790] =	vst v63  }
0xa5: {  	_ =	swait.ge [sflag:s25], $0x2800  }
0xa6: {  	[sflag:s25] =	ssyncset.done $0x0  }
.Ltmp4:
0xa7: {  	[sflag:s25] =	ssyncadd.s32 $0xFFFFD800;
	(pc) =	sbr.rel .LBB2_5-.Ltmp4, $4  }
0xa8: {  	[hbm4b:s21+s3] =	stream.linear.scatter [tilespmem:s24], [sflag:$0x1], $0x2800, $0x38;
	[tilespmem:$0x7790] =	vst v63  }
0xa9: {  	_ =	swait.ge [sflag:s25], $0x2800  }
0xaa: {  	[sflag:s25] =	ssyncset.done $0x0  }
0xab: {  	[sflag:s25] =	ssyncadd.s32 $0xFFFFD800  }
.LBB2_6:
0xac: {  	_ =	sfence.sel $0x180000  }
0xad: {  	[bflag:$0x0] =	sbarrier.arrive $0xFFFF  }
0xae: {  	_ =	strace $0x9000004A  }
0xaf: {  	s0 =	stileid.u32;
	[bflag:$0x2] =	sbarrier.arrive $0xFFFF  }
0xb0: {  	p0 =	sne.s32 s0, $0x0;
	s0 =	rddreg [dreg:$0x3]  }
0xb1: {  	s0 =	sadd.s32 @!p0 $0x100000, s0  }
0xb2: {  	[sflag:s0] =	ssyncadd.tile.s32 @!p0 $0x1;
	_ =	shalt  }
.Lfunc_end2:
_tile_overlayer_lowered:
.L_overlay_start_2:
0xb3: {  	(tag) =	ssettag $0x2  }
0xb4: {  	s0 =	rddreg [dreg:$0x0];
	s2 =	stileid.u32  }
0xb5: {  	s1 =	rddreg [dreg:$0x1];
	p0 =	sne.s32 s2, $0x0  }
0xb6: {  	s3 =	rddreg [dreg:$0x2];
	[bflag:$0x3] =	sbarrier.arrive $0xFFFF;
	s2 =	simm.s32 @!p0 $0x1C01  }
0xb7: {  	[timem:s3], [sflag:s2] =	dma.local @!p0 [hbm:s0], s1  }
0xb8: {  	s0 =	simm.s32 @!p0 $0x1  }
0xb9: {  	_ =	swait.ge @!p0 [sflag:s0], s1  }
0xba: {  	s1 =	ssub.s32 @!p0 $0x0, s1;
	[sflag:s0] =	ssyncset.done @!p0 $0x0  }
0xbb: {  	[sflag:s0] =	ssyncadd.s32 @!p0 s1  }
0xbc: {  	[bflag:$0x3] =	sbarrier.arrive $0xFFFF  }
0xbd: {  	_ =	shalt  }

// kernel: kernel.7.cloned.1.call-start
scs
__scs_entry_jumppad:
0x0: {  	(pc) =	sbr.rel $0x88, $3  }
0x1: {  	(tag) =	ssettag $0x0;
	lr =	simm.s32 $0x1  }
0x2: {  	[smem:$0x3F88] =	sst lr;
	_ =	strace $0xD0000000  }
0x3: {  	_ = 	snop  }
0x4: {  	_ = 	snop  }
0x5: {  	_ = 	snop  }
0x6: {  	_ = 	snop  }
0x7: {  	_ = 	snop  }
__scs_overlays_trampoline_lowered:
0x8: {  	[smem:$0x3F97] =	sst s0  }
0x9: {  	[smem:$0x3F98] =	sst s1  }
0xa: {  	[smem:$0x3F99] =	sst s2  }
0xb: {  	[smem:$0x3F9A] =	sst s3  }
0xc: {  	[smem:$0x3F9B] =	sst s4  }
0xd: {  	[smem:$0x3F9C] =	sst s5  }
0xe: {  	[smem:$0x3F9D] =	sst s6  }
0xf: {  	[smem:$0x3F9E] =	sst s7  }
0x10: {  	[smem:$0x3F9F] =	sst s8  }
0x11: {  	[smem:$0x3FA0] =	sst s9;
	s0 =	simm.s32 @!p0 $0x0  }
0x12: {  	s1 =	sld [smem:$0x3F86];
	s0 =	simm.s32 @p0 $0x1  }
0x13: {  	[smem:$0x3FA1] =	sst s0;
	s0 =	simm.s32 @!p1 $0x0  }
0x14: {  	s2 =	sld [smem:$0x3F85];
	s0 =	simm.s32 @p1 $0x1  }
0x15: {  	[smem:$0x3FA2] =	sst s0;
	s0 =	simm.s32 @!p2 $0x0  }
0x16: {  	s3 =	sld [smem:$0x3FDB];
	s0 =	simm.s32 @p2 $0x1  }
0x17: {  	s4 =	simm.s32 $0x1BF5;
	[smem:$0x3FA4] =	sst s0  }
0x18: {  	s0 =	sld [smem:$0x3F87];
	_ =	swait.ge [sflag:s4], $0x0  }
0x19: {  	s7 =	sld [smem:$0x3F88]  }
0x1a: {  	s8 =	sadd.s32 $0xFFFFE003, lr  }
0x1b: {  	s9 =	sadd.s32 $0xFFFFFEF7, lr;
	s5 =	simm.s32 $0xFFFFFFFF;
	p2 =	slt.u32 s8, $0xFFFFF086  }
0x1c: {  	p1 =	slt.u32 s9, $0xF7A;
	s5 =	simm.s32 @!p2 $0x0  }
0x1d: {  	s5 =	simm.s32 @p1 $0x1;
	p0 =	seq.s32 s7, s2  }
0x1e: {  	s7 =	smul.u32 @!p0 $0xF7A, s2;
	p2 =	seq.s32 @!p0 s5, $0x0  }
0x1f: {  	s9 =	smul.u32 $0xF7A, s1;
	s8 =	simm.s32 @!p0 $0x1BF5;
	p2 =	por !p2, p0  }
0x20: {  	[sflag:s8] =	ssyncset.s32 @!p0 $0xFFFFF086;
	s6 =	sadd.s32 @!p0 s3, s7;
	s7 =	simm.s32 @!p0 $0x108  }
0x21: {  	s3 =	sadd.s32 s3, s9;
	s6 =	sadd.s32 @!p0 $0x88, s6;
	s7 =	simm.s32 @p2 $0x1082  }
0x22: {  	[simem:s7], [sflag:s8] =	dma.local @!p0 [hbm:s6], $0xF7A  }
0x23: {  	s9 =	sor.u32 $0xD0000000, s2;
	s6 =	simm.s32 $0x108;
	_ =	swait.ge @!p0 [sflag:s8], $0x0  }
0x24: {  	s3 =	sadd.s32 $0x88, s3;
	s6 =	simm.s32 @!p1 $0x1082;
	[sflag:s4] =	ssyncset.s32 $0xFFFFF086  }
0x25: {  	[simem:s6], [sflag:s4] =	dma.local [hbm:s3], $0xF7A  }
0x26: {  	[smem:$0x3F88] =	sst s1;
	(tag) =	ssettag s2;
	_ =	strace s9  }
0x27: {  	s1 =	sld [smem:$0x3F98]  }
0x28: {  	s2 =	sld [smem:$0x3F99]  }
0x29: {  	s4 =	sld [smem:$0x3F9B]  }
0x2a: {  	p0 =	seq.s32 s5, $0x0;
	s5 =	sld [smem:$0x3F9C]  }
0x2b: {  	s6 =	sld [smem:$0x3F9D]  }
0x2c: {  	s7 =	sld [smem:$0x3F9E]  }
0x2d: {  	s3 =	simm.s32 $0x108;
	s8 =	sld [smem:$0x3F9F]  }
0x2e: {  	s3 =	simm.s32 @!p0 $0x1082;
	s9 =	sld [smem:$0x3FA0]  }
0x2f: {  	lr =	sadd.s32 s0, s3;
	s0 =	sld [smem:$0x3F97]  }
0x30: {  	s3 =	sld [smem:$0x3F9A]  }
0x31: {  	[smem:$0x3FA3] =	sst s10  }
0x32: {  	s10 =	sld [smem:$0x3FA1];
	_ =	sdelay $0x3  }
0x33: {  	p0 =	seq.s32 s10, $0x1;
	s10 =	sld [smem:$0x3FA3];
	_ =	sdelay $0x3  }
0x34: {  	[smem:$0x3FA3] =	sst s10  }
0x35: {  	s10 =	sld [smem:$0x3FA2];
	_ =	sdelay $0x3  }
0x36: {  	p1 =	seq.s32 s10, $0x1;
	s10 =	sld [smem:$0x3FA3];
	_ =	sdelay $0x3  }
0x37: {  	[smem:$0x3FA3] =	sst s10  }
0x38: {  	s10 =	sld [smem:$0x3FA4]  }
0x39: {  	_ = 	snop;
	(pc) =	sbr.ind lr, $3  }
0x3a: {  	_ = 	snop  }
0x3b: {  	_ = 	snop  }
0x3c: {  	p2 =	seq.s32 s10, $0x1;
	s10 =	sld [smem:$0x3FA3]  }
0x3d: {  	_ =	shalt  }
0x3e: {  	_ =	shalt  }
0x3f: {  	_ =	shalt  }
0x40: {  	_ =	shalt  }
0x41: {  	_ =	shalt  }
0x42: {  	_ =	shalt  }
0x43: {  	_ =	shalt  }
0x44: {  	_ =	shalt  }
0x45: {  	_ =	shalt  }
0x46: {  	_ =	shalt  }
0x47: {  	_ =	shalt  }
0x48: {  	_ =	shalt  }
0x49: {  	_ =	shalt  }
0x4a: {  	_ =	shalt  }
0x4b: {  	_ =	shalt  }
0x4c: {  	_ =	shalt  }
0x4d: {  	_ =	shalt  }
0x4e: {  	_ =	shalt  }
0x4f: {  	_ =	shalt  }
0x50: {  	_ =	shalt  }
0x51: {  	_ =	shalt  }
0x52: {  	_ =	shalt  }
0x53: {  	_ =	shalt  }
0x54: {  	_ =	shalt  }
0x55: {  	_ =	shalt  }
0x56: {  	_ =	shalt  }
0x57: {  	_ =	shalt  }
0x58: {  	_ =	shalt  }
0x59: {  	_ =	shalt  }
0x5a: {  	_ =	shalt  }
0x5b: {  	_ =	shalt  }
0x5c: {  	_ =	shalt  }
0x5d: {  	_ =	shalt  }
0x5e: {  	_ =	shalt  }
0x5f: {  	_ =	shalt  }
0x60: {  	_ =	shalt  }
0x61: {  	_ =	shalt  }
0x62: {  	_ =	shalt  }
0x63: {  	_ =	shalt  }
0x64: {  	_ =	shalt  }
0x65: {  	_ =	shalt  }
0x66: {  	_ =	shalt  }
0x67: {  	_ =	shalt  }
0x68: {  	_ =	shalt  }
0x69: {  	_ =	shalt  }
0x6a: {  	_ =	shalt  }
0x6b: {  	_ =	shalt  }
0x6c: {  	_ =	shalt  }
0x6d: {  	_ =	shalt  }
0x6e: {  	_ =	shalt  }
0x6f: {  	_ =	shalt  }
0x70: {  	_ =	shalt  }
0x71: {  	_ =	shalt  }
0x72: {  	_ =	shalt  }
0x73: {  	_ =	shalt  }
0x74: {  	_ =	shalt  }
0x75: {  	_ =	shalt  }
0x76: {  	_ =	shalt  }
0x77: {  	_ =	shalt  }
0x78: {  	_ =	shalt  }
0x79: {  	_ =	shalt  }
0x7a: {  	_ =	shalt  }
0x7b: {  	_ =	shalt  }
0x7c: {  	_ =	shalt  }
0x7d: {  	_ =	shalt  }
0x7e: {  	_ =	shalt  }
0x7f: {  	_ =	shalt  }
0x80: {  	_ =	shalt  }
0x81: {  	_ =	shalt  }
0x82: {  	_ =	shalt  }
0x83: {  	_ =	shalt  }
0x84: {  	_ =	shalt  }
0x85: {  	_ =	shalt  }
0x86: {  	_ =	shalt  }
0x87: {  	_ =	shalt  }
.Lfunc_end0:
.L_simem_size_0:
called_computation_lowered:
.L_overlay_start_0:
0x88: {  	s2 =	sld [smem:$0x3FD9]  }
0x89: {  	s3 =	sld [smem:$0x3FFE];
	_ =	sdelay $0x1  }
0x8a: {  	s1 =	srdreg.scid  }
0x8b: {  	s0 =	sand.u32 $0x1, s1  }
0x8c: {  	s14 =	sshll.u32 s0, $0xA;
	s2 =	sadd.s32 s3, s2  }
0x8d: {  	s2 =	sadd.s32 s2, s14  }
0x8e: {  	[smem:$0x3FAF] =	sst s2  }
0x8f: {  	_ = 	snop  }
0x90: {  	s2 =	sld [smem:$0x3FD0];
	_ =	sdelay $0x2  }
0x91: {  	s4 =	simm.s32 $0xB;
	s5 =	simm.s32 $0x10;
	s15 =	sld [smem:$0x3FC9]  }
0x92: {  	[smem:s5], [sflag:s4] =	dma.local [hbm:s2], $0x1  }
0x93: {  	_ =	swait.eq [sflag:s4], $0x1  }
0x94: {  	[sflag:s4] =	ssyncset.done $0x0  }
0x95: {  	[sflag:s4] =	ssyncadd.s32 $0xFFFFFFFF  }
0x96: {  	s16 =	sld [smem:$0x11];
	(tm) =	ssettm $0x1  }
0x97: {  	s17 =	sld [smem:$0x3FFB];
	_ =	sdelay $0x3  }
0x98: {  	_ =	strace s17  }
0x99: {  	s4 =	sld [smem:$0x3FFC];
	_ =	sdelay $0x3  }
0x9a: {  	_ =	strace s4  }
0x9b: {  	s4 =	sld [smem:$0x3FFD];
	_ =	sdelay $0x3  }
0x9c: {  	_ =	strace s4  }
0x9d: {  	_ =	strace $0x8FFFFFFF  }
0x9e: {  	s18 =	sld [smem:$0x3FDB];
	_ =	sdelay $0x1  }
0x9f: {  	s19 =	simm.s32 $_scs_section_size  }
0xa0: {  	s6 =	simm.s32 $_size__tile_overlayer_lowered;
	s7 =	simm.s32 $_tile_overlayer_lowered  }
0xa1: {  	s22 =	simm.s32 $0x1BFF;
	s21 =	sshll.u32 s7, $0x1;
	s4 =	sadd.s32 s19, s18  }
0xa2: {  	s8 =	simm.s32 $0x0;
	s20 =	sshll.u32 s6, $0x1;
	s6 =	sadd.s32 s21, s4  }
0xa3: {  	[timem:s8], [sflag:s22] =	dma.local [hbm:s6], s20  }
0xa4: {  	_ =	swait.ge [sflag:s22], s20  }
0xa5: {  	s5 =	ssub.s32 $0x0, s20;
	[sflag:s22] =	ssyncset.done $0x0  }
0xa6: {  	[sflag:s22] =	ssyncadd.s32 s5;
	_ =	sdelay $0x1  }
0xa7: {  	s23 =	simm.s32 $0x1B8B  }
0xa8: {  	_ =	swait.ge [sflag:s23], $0x1  }
0xa9: {  	[sflag:s23] =	ssyncset.done $0x0  }
0xaa: {  	s25 =	simm.s32 $0x1B8E;
	s24 =	sld [smem:$0x3FFE];
	[sflag:s23] =	ssyncadd.s32 $0xFFFFFFFF  }
0xab: {  	s26 =	simm.s32 $execute0_lowered;
	[smem:$0x3FD2] =	sst s25  }
0xac: {  	s6 =	sshll.u32 s26, $0x1;
	_ =	strace $0x80000046;
	[dreg:$0x1] =	wrdreg $0xFFFFFFFF  }
0xad: {  	s28 =	simm.s32 $_size_execute0_lowered;
	s4 =	sadd.s32 s4, s6;
	[dreg:$0x0] =	wrdreg $0x0  }
0xae: {  	s6 =	sshll.u32 s28, $0x1;
	[dreg:$0x2] =	wrdreg s4  }
0xaf: {  	[dreg:$0x3] =	wrdreg s6  }
0xb0: {  	[dreg:$0x4] =	wrdreg $0xC0  }
0xb1: {  	_ =	task [dreg:s8], $0x5FFFF  }
0xb2: {  	[dreg:$0x1] =	wrdreg $0xFFFFFFFF  }
0xb3: {  	[dreg:$0x0] =	wrdreg $0x60  }
0xb4: {  	[dreg:$0x2] =	wrdreg s15  }
0xb5: {  	[dreg:$0x3] =	wrdreg s24  }
0xb6: {  	[dreg:$0x4] =	wrdreg s16  }
0xb7: {  	[dreg:$0x5] =	wrdreg $0x9  }
0xb8: {  	_ =	task.clear_ibuf [dreg:s8], $0x6FFFF;
	_ =	strace $0x90000046  }
0xb9: {  	s29 =	simm.s32 $0x9;
	_ =	strace $0x80000048  }
0xba: {  	_ =	swait.ge [sflag:s29], $0x1  }
0xbb: {  	[sflag:s29] =	ssyncadd.s32 $0xFFFFFFFF  }
0xbc: {  	_ =	strace $0x90000048  }
0xbd: {  	_ =	sfence  }
0xbe: {  	s30 =	sld [smem:$0x0];
	_ =	sdelay $0x2  }
0xbf: {  	s31 =	sshll.u32 s1, $0xD;
	s1 =	sshrl.u32 s1, $0x2  }
0xc0: {  	s3 =	sand.u32 $0x4000, s31;
	s1 =	sadd.s32 s1, s30  }
0xc1: {  	s0 =	sor.u32 s3, s0;
	s1 =	sshll.u32 s1, $0x11  }
0xc2: {  	s0 =	sor.u32 s1, s0  }
0xc3: {  	s0 =	sadd.s32 $0x8F2B, s0  }
0xc4: {  	[sflag:s0] =	ssyncadd.remote.s32 $0x1  }
0xc5: {  	_ =	sfence.sel $0xFFFF  }
0xc6: {  	[dreg:$0x0] =	wrdreg $0xFFFFFFFF;
	(pc) =	sbr.abs _section_cstart, $3  }
0xc7: {  	[dreg:$0x1] =	wrdreg $0xFFFFFFFF  }
0xc8: {  	_ =	task.clear_ibuf [dreg:s8], $0x2FFFF;
	_ =	strace $0x9FFFFFFF  }
0xc9: {  	(tm) =	ssettm $0x7FFFFFFF  }
tec
execute0_lowered:
.L_overlay_start_1:
0x0: {  	(tag) =	ssettag $0x1  }
0x1: {  	s1 =	rddreg [dreg:$0x0]  }
0x2: {  	s4 =	rddreg [dreg:$0x1];
	s2 =	srdreg.scid  }
0x3: {  	s0 =	stileid.u32;
	s7 =	rddreg [dreg:$0x2];
	s3 =	simm.s32 $0x0  }
0x4: {  	s12 =	simm.s32 $0x900;
	s13 =	simm.s32 $0x1100;
	s14 =	simm.s32 $0x1900  }
0x5: {  	s15 =	simm.s32 $0x2100;
	s16 =	simm.s32 $0x2900;
	s17 =	simm.s32 $0x3100  }
0x6: {  	s18 =	simm.s32 $0x3900;
	s19 =	simm.s32 $0x4100;
	s20 =	simm.s32 $0x4900  }
0x7: {  	s21 =	simm.s32 $0x1;
	s22 =	simm.s32 $0x2;
	s6 =	smul.u32 $0x2710, s0  }
0x8: {  	s5 =	sand.u32 $0x1, s2;
	s2 =	rddreg [dreg:$0x3];
	s9 =	smul.u32 $0x4E200, s0  }
0x9: {  	s23 =	simm.s32 $0x0;
	[smem:$0x7FF] =	sst s3;
	s8 =	smul.u32 $0x1388, s5  }
0xa: {  	_ =	strace $0x80000047;
	s10 =	ssub.s32 $0x2, s5;
	s5 =	smul.u32 $0x27100, s5  }
0xb: {  	s28 =	sadd.s32 s9, s4;
	s29 =	sshrl.u32 s10, $0x1;
	s9 =	simm.s32 $0x3  }
0xc: {  	s6 =	sadd.s32 s8, s6;
	s30 =	ssub.s32 s10, s29;
	s8 =	sadd.s32 s5, s28  }
0xd: {  	v2 =	vlaneseq.u32;
	s10 =	simm.s32 $0x80;
	s11 =	sshrl.u32 s6, $0x3;
	s5 =	sadd.s32 $0x9C00, s8  }
0xe: {  	vm0 =	vmmov $0xffff;
	v1 =	vshrl.u32 v2, $0x3;
	s6 =	sadd.s32 $0x4EBC00, s8;
	s31 =	sadd.s32 s11, s4;
	s4 =	smax.u32 s30, $0x1  }
0xf: {  	v0 =	vand.u32 $0x7, v2;
	v2 =	vor.u32 $0x8, v2;
	v1 =	vmul.u32 $0x8, v1;
	s7 =	sadd.s32 s11, s7;
	s11 =	simm.s32 $0x100;
	s8 =	sadd.s32 $0x4C00, s31  }
.LBB2_1:
0x10: {  	s24 =	smov.u32 s6;
	s25 =	smov.u32 s5;
	s26 =	simm.s32 $0x0  }
.LBB2_2:
0x11: {  	s28 =	sadd.s32 s26, s8  }
0x12: {  	[tilespmem:s3], [sflag:$0x3] =	stream.linear.gather [hbm4b:s28+s3], $0x28, $0x38;
	[tilespmem:$0x5100] =	vst v63  }
0x13: {  	_ =	swait.ge [sflag:s9], $0x28  }
0x14: {  	[sflag:s9] =	ssyncset.done $0x0  }
0x15: {  	s31 =	sadd.s32 s26, s7;
	[sflag:s9] =	ssyncadd.s32 $0xFFFFFFD8  }
0x16: {  	[tilespmem:s10], [sflag:$0x3] =	stream.linear.gather [hbm4b:s31+s3], $0x28, $0x38;
	[tilespmem:$0x5100] =	vst v63  }
0x17: {  	_ =	swait.ge [sflag:s9], $0x28  }
0x18: {  	[sflag:s9] =	ssyncset.done $0x0  }
0x19: {  	[sflag:s9] =	ssyncadd.s32 $0xFFFFFFD8  }
0x1a: {  	v3 =	vld [tilespmem:$0x0];
	_ =	sdelay $0x4  }
0x1b: {  	v4 =	vshll.u32 v3, $0x1  }
0x1c: {  	v3 =	vand.u32 $0x7, v3;
	v4 =	vand.u32 $0xFFFFFFF0, v4  }
0x1d: {  	v3 =	vor.u32 v3, v4  }
0x1e: {  	v4 =	vperm.xlane v3, v0;
	_ =	sdelay $0x1  }
0x1f: {  	v3 =	vperm.xlane v3, v2;
	v4 =	vadd.s32 v1, v4;
	_ =	sdelay $0x1  }
0x20: {  	v3 =	vadd.s32 v1, v3;
	_ =	sdelay $0x2  }
0x21: {  	[tilespmem:s11], [sflag:$0x1] =	stream.indirect_vreg.gather [hbm4b:s1+s3], $0x80, v4, vm0, $0xb8;
	[tilespmem:$0x5100] =	vst v63  }
0x22: {  	_ = 	snop  }
0x23: {  	[tilespmem:s12], [sflag:$0x1] =	stream.indirect_vreg.gather [hbm4b:s1+s3], $0x80, v3, vm0, $0xb8;
	[tilespmem:$0x5100] =	vst v63  }
0x24: {  	v3 =	vld [tilespmem:$0x10];
	_ =	sdelay $0x4  }
0x25: {  	v59 =	vshll.u32 v3, $0x1  }
0x26: {  	v3 =	vand.u32 $0x7, v3;
	v4 =	vand.u32 $0xFFFFFFF0, v59  }
0x27: {  	v3 =	vor.u32 v3, v4  }
0x28: {  	v4 =	vperm.xlane v3, v0;
	_ =	sdelay $0x1  }
0x29: {  	v3 =	vperm.xlane v3, v2;
	v4 =	vadd.s32 v1, v4;
	_ =	sdelay $0x1  }
0x2a: {  	v3 =	vadd.s32 v1, v3;
	_ =	sdelay $0x2  }
0x2b: {  	[tilespmem:s13], [sflag:$0x1] =	stream.indirect_vreg.gather [hbm4b:s1+s3], $0x80, v4, vm0, $0xb8;
	[tilespmem:$0x5100] =	vst v63  }
0x2c: {  	_ = 	snop  }
0x2d: {  	[tilespmem:s14], [sflag:$0x1] =	stream.indirect_vreg.gather [hbm4b:s1+s3], $0x80, v3, vm0, $0xb8;
	[tilespmem:$0x5100] =	vst v63  }
0x2e: {  	v3 =	vld.msk [tilespmem:$0x20], $0xff;
	_ =	sdelay $0x4  }
0x2f: {  	v60 =	vshll.u32 v3, $0x1  }
0x30: {  	v3 =	vand.u32 $0x7, v3;
	v4 =	vand.u32 $0xFFFFFFF0, v60  }
0x31: {  	v3 =	vor.u32 v3, v4  }
0x32: {  	v3 =	vperm.xlane v3, v0;
	_ =	sdelay $0x1  }
0x33: {  	v3 =	vadd.s32 v1, v3;
	_ =	sdelay $0x4  }
0x34: {  	[tilespmem:s15], [sflag:$0x1] =	stream.indirect_vreg.gather [hbm4b:s1+s3], $0x80, v3, vm0, $0xb8;
	[tilespmem:$0x5100] =	vst v63  }
0x35: {  	v3 =	vld [tilespmem:$0x80];
	_ =	sdelay $0x4  }
0x36: {  	v61 =	vshll.u32 v3, $0x1  }
0x37: {  	v3 =	vand.u32 $0x7, v3;
	v4 =	vand.u32 $0xFFFFFFF0, v61  }
0x38: {  	v3 =	vor.u32 v3, v4  }
0x39: {  	v4 =	vperm.xlane v3, v0;
	_ =	sdelay $0x1  }
0x3a: {  	v3 =	vperm.xlane v3, v2;
	v4 =	vadd.s32 v1, v4;
	_ =	sdelay $0x1  }
0x3b: {  	v3 =	vadd.s32 v1, v3;
	_ =	sdelay $0x2  }
0x3c: {  	[tilespmem:s16], [sflag:$0x2] =	stream.indirect_vreg.gather [hbm4b:s1+s3], $0x80, v4, vm0, $0xb8;
	[tilespmem:$0x5100] =	vst v63  }
0x3d: {  	_ = 	snop  }
0x3e: {  	[tilespmem:s17], [sflag:$0x2] =	stream.indirect_vreg.gather [hbm4b:s1+s3], $0x80, v3, vm0, $0xb8;
	[tilespmem:$0x5100] =	vst v63  }
0x3f: {  	v3 =	vld [tilespmem:$0x90];
	_ =	sdelay $0x4  }
0x40: {  	v62 =	vshll.u32 v3, $0x1  }
0x41: {  	v3 =	vand.u32 $0x7, v3;
	v4 =	vand.u32 $0xFFFFFFF0, v62  }
0x42: {  	v3 =	vor.u32 v3, v4  }
0x43: {  	v4 =	vperm.xlane v3, v0;
	_ =	sdelay $0x1  }
0x44: {  	v3 =	vperm.xlane v3, v2;
	v4 =	vadd.s32 v1, v4;
	_ =	sdelay $0x1  }
0x45: {  	v3 =	vadd.s32 v1, v3;
	_ =	sdelay $0x2  }
0x46: {  	[tilespmem:s18], [sflag:$0x2] =	stream.indirect_vreg.gather [hbm4b:s1+s3], $0x80, v4, vm0, $0xb8;
	[tilespmem:$0x5100] =	vst v63  }
0x47: {  	_ = 	snop  }
0x48: {  	[tilespmem:s19], [sflag:$0x2] =	stream.indirect_vreg.gather [hbm4b:s1+s3], $0x80, v3, vm0, $0xb8;
	[tilespmem:$0x5100] =	vst v63  }
0x49: {  	v3 =	vld.msk [tilespmem:$0xA0], $0xff;
	_ =	sdelay $0x4  }
0x4a: {  	v63 =	vshll.u32 v3, $0x1  }
0x4b: {  	v3 =	vand.u32 $0x7, v3;
	v4 =	vand.u32 $0xFFFFFFF0, v63  }
0x4c: {  	v3 =	vor.u32 v3, v4  }
0x4d: {  	v3 =	vperm.xlane v3, v0;
	_ =	sdelay $0x1  }
0x4e: {  	v3 =	vadd.s32 v1, v3;
	_ =	sdelay $0x4  }
0x4f: {  	[tilespmem:s20], [sflag:$0x2] =	stream.indirect_vreg.gather [hbm4b:s1+s3], $0x80, v3, vm0, $0xb8;
	[tilespmem:$0x5100] =	vst v63  }
0x50: {  	_ =	swait.ge [sflag:s21], $0x2800  }
0x51: {  	[sflag:s21] =	ssyncset.done $0x0  }
0x52: {  	[sflag:s21] =	ssyncadd.s32 $0xFFFFD800  }
0x53: {  	_ =	swait.ge [sflag:s22], $0x2800  }
0x54: {  	[sflag:s22] =	ssyncset.done $0x0  }
0x55: {  	[sflag:s22] =	ssyncadd.s32 $0xFFFFD800  }
0x56: {  	[hbm4b:s25+s3] =	stream.linear.scatter [tilespmem:s11], [sflag:$0x3], $0x2800, $0x38;
	[tilespmem:$0x5100] =	vst v63  }
0x57: {  	_ =	swait.ge [sflag:s9], $0x2800  }
0x58: {  	p0 =	sne.s32 s26, $0x26C;
	[sflag:s9] =	ssyncset.done $0x0  }
.Ltmp0:
0x59: {  	[sflag:s9] =	ssyncadd.s32 $0xFFFFD800;
	(pc) =	sbr.rel @p0 .LBB2_2-.Ltmp0, $4  }
0x5a: {  	[hbm4b:s24+s3] =	stream.linear.scatter [tilespmem:s16], [sflag:$0x3], $0x2800, $0x38;
	[tilespmem:$0x5100] =	vst v63  }
0x5b: {  	_ =	swait.ge [sflag:s9], $0x2800  }
0x5c: {  	s26 =	sadd.s32 $0x5, s26;
	[sflag:s9] =	ssyncset.done $0x0  }
0x5d: {  	s25 =	sadd.s32 $0x500, s25;
	s24 =	sadd.s32 $0x500, s24;
	[sflag:s9] =	ssyncadd.s32 $0xFFFFD800  }
0x5e: {  	s23 =	sadd.s32 $0x1, s23  }
0x5f: {  	p0 =	sne.s32 s23, s4  }
.Ltmp1:
0x60: {  	_ = 	snop;
	(pc) =	sbr.rel @p0 .LBB2_1-.Ltmp1, $1  }
0x61: {  	_ =	sdelay $0x3  }
0x62: {  	_ =	sfence.sel $0x180000  }
0x63: {  	[bflag:$0x0] =	sbarrier.arrive $0xFFFF  }
0x64: {  	p0 =	sne.s32 s0, $0x0;
	_ =	strace $0x90000047  }
0x65: {  	s0 =	sadd.s32 @!p0 $0x100000, s2;
	[bflag:$0x2] =	sbarrier.arrive $0xFFFF  }
0x66: {  	[sflag:s0] =	ssyncadd.tile.s32 @!p0 $0x1;
	_ =	shalt  }
.Lfunc_end2:
_tile_overlayer_lowered:
.L_overlay_start_2:
0x67: {  	(tag) =	ssettag $0x2  }
0x68: {  	s0 =	rddreg [dreg:$0x0];
	s2 =	stileid.u32  }
0x69: {  	s1 =	rddreg [dreg:$0x1];
	p0 =	sne.s32 s2, $0x0  }
0x6a: {  	s3 =	rddreg [dreg:$0x2];
	[bflag:$0x3] =	sbarrier.arrive $0xFFFF;
	s2 =	simm.s32 @!p0 $0x1C03  }
0x6b: {  	[timem:s3], [sflag:s2] =	dma.local @!p0 [hbm:s0], s1  }
0x6c: {  	s0 =	simm.s32 @!p0 $0x3  }
0x6d: {  	_ =	swait.ge @!p0 [sflag:s0], s1  }
0x6e: {  	s1 =	ssub.s32 @!p0 $0x0, s1;
	[sflag:s0] =	ssyncset.done @!p0 $0x0  }
0x6f: {  	[sflag:s0] =	ssyncadd.s32 @!p0 s1  }
0x70: {  	[bflag:$0x3] =	sbarrier.arrive $0xFFFF  }
0x71: {  	_ =	shalt  }

</sc_bundles>
